<compile_context>
chip_gen: v7x
topology: tpu7x:2x2x1
jax: 0.10.2.dev20260603
libtpu: 0.0.44.dev20260713+nightly
codegen_flags: <defaults>
</compile_context>

<pallas_src>
import jax
import jax.numpy as jnp
from jax import lax
from jax.experimental import pallas as pl
from jax.experimental.pallas import tpu as pltpu
from jax.experimental.pallas import tpu_sc as plsc

VOCAB = 1000000
EMB_DIM = 64
PAD_DIM = 128
BATCH = 4096
HIST = 50

NC = 2
NS = 16
NW = NC * NS

TOKENS = BATCH * HIST
B_PER_W = TOKENS // NW
K = 128
NCHUNK = B_PER_W // K
NBUF = 5
F = 3
NGRP = NCHUNK // NBUF


def _emb_body(tok_hbm, w_hbm, out_hbm, idx_v,
              r0, r1, r2, r3, r4, g0, g1, g2, g3, g4,
              o0, o1, o2, o3, o4):
    rows = [r0, r1, r2, r3, r4]
    gsem = [g0, g1, g2, g3, g4]
    osem = [o0, o1, o2, o3, o4]
    c = lax.axis_index("c")
    s = lax.axis_index("s")
    wid = s * NC + c
    pltpu.sync_copy(tok_hbm.at[wid], idx_v)
    base = wid * B_PER_W

    def fire_gather(j, b):
        pltpu.async_copy(w_hbm.at[idx_v.at[j]], rows[b], gsem[b])

    def wait_gather(b):
        pltpu.make_async_copy(w_hbm.at[pl.ds(0, K)], rows[b], gsem[b]).wait()

    def fire_out(j, b):
        pltpu.async_copy(rows[b], out_hbm.at[pl.ds(base + j * K, K)],
                         osem[b])

    def wait_out(b):
        pltpu.make_async_copy(out_hbm.at[pl.ds(base, K)], rows[b],
                              osem[b]).wait()

    for j in range(F):
        fire_gather(j, j)
    for j in range(NBUF):
        bq = j + F
        if bq < NBUF:
            fire_gather(bq, bq)
        else:
            wait_out(bq - NBUF)
            fire_gather(bq, bq - NBUF)
        wait_gather(j)
        fire_out(j, j)

    @pl.loop(1, NGRP - 1)
    def _(g):
        jg = g * NBUF
        for b in range(NBUF):
            bq = (b + F) % NBUF
            wait_out(bq)
            fire_gather(jg + b + F, bq)
            wait_gather(b)
            fire_out(jg + b, b)

    jg = (NGRP - 1) * NBUF
    for b in range(NBUF):
        if jg + b + F < NCHUNK:
            bq = (b + F) % NBUF
            wait_out(bq)
            fire_gather(jg + b + F, bq)
        wait_gather(b)
        fire_out(jg + b, b)
    for b in range(NBUF):
        wait_out(b)


@jax.jit
def _emb_lookup(tok3, w128):
    mesh = plsc.VectorSubcoreMesh(core_axis_name="c", subcore_axis_name="s")
    fn = pl.kernel(
        _emb_body,
        out_type=jax.ShapeDtypeStruct((TOKENS, PAD_DIM), jnp.float32),
        mesh=mesh,
        scratch_types=(
            [pltpu.VMEM((NCHUNK, K), jnp.int32)]
            + [pltpu.VMEM((K, PAD_DIM), jnp.float32) for _ in range(NBUF)]
            + [pltpu.SemaphoreType.DMA for _ in range(2 * NBUF)]
        ),
        compiler_params=pltpu.CompilerParams(use_tc_tiling_on_sc=True),
    )
    return fn(tok3, w128)


def kernel(token, weight):
    tok3 = token.reshape(NW, NCHUNK, K).astype(jnp.int32)
    w128 = jnp.pad(weight, ((0, 0), (0, PAD_DIM - EMB_DIM)))
    out = _emb_lookup(tok3, w128)
    return out[:, :EMB_DIM].reshape(BATCH, HIST, EMB_DIM)

# --- scband reference (transcript-rebuilt; emitter-appended) ---
"""Pipeline reference for scband-embedding-8942121910325 (READ-ONLY COPY).

The authoritative reference and input builder live on the scoring server;
editing this copy changes nothing except your own understanding.
"""

import jax, jax.numpy as jnp
import numpy as np

VOCAB = 1000000
EMB_DIM = 64
BATCH = 4096
HIST = 50

def setup_inputs(seed: int = 0) -> dict:
    key = jax.random.key(seed)
    k_tok, k_w = jax.random.split(key)
    token = jax.random.randint(k_tok, (BATCH, HIST), 0, VOCAB, dtype=jnp.int64 if jax.config.read('jax_enable_x64') else jnp.int32)
    weight = jax.random.normal(k_w, (VOCAB, EMB_DIM), dtype=jnp.float32) * 0.02
    return {"token": token, "weight": weight}

def reference(token, weight):
    # nn.Embedding forward: gather rows of weight by token ids
    return jnp.take(weight, token, axis=0)

if __name__ == "__main__":
    import jax
    _d = setup_inputs()
    print(jax.jit(kernel)(*tuple(_d.values())))

</pallas_src>

<mosaic_0001>
#map = affine_map<(d0, d1) -> (0, 0, 0)>
#map1 = affine_map<(d0, d1) -> (0, 0)>
module attributes {stable_mosaic.version = 14 : i64} {
  func.func @_emb_body(%arg0: i32, %arg1: i32, %arg2: memref<32x50x128xi32, #tpu.memory_space<hbm>>, %arg3: memref<1000000x128xf32, #tpu.memory_space<hbm>>, %arg4: memref<204800x128xf32, #tpu.memory_space<hbm>>, %arg5: memref<50x128xi32, #tpu.memory_space<vmem>>, %arg6: memref<128x128xf32, #tpu.memory_space<vmem>>, %arg7: memref<128x128xf32, #tpu.memory_space<vmem>>, %arg8: memref<128x128xf32, #tpu.memory_space<vmem>>, %arg9: memref<128x128xf32, #tpu.memory_space<vmem>>, %arg10: memref<128x128xf32, #tpu.memory_space<vmem>>, %arg11: memref<!tpu.dma_semaphore, #tpu.memory_space<semaphore_mem>>, %arg12: memref<!tpu.dma_semaphore, #tpu.memory_space<semaphore_mem>>, %arg13: memref<!tpu.dma_semaphore, #tpu.memory_space<semaphore_mem>>, %arg14: memref<!tpu.dma_semaphore, #tpu.memory_space<semaphore_mem>>, %arg15: memref<!tpu.dma_semaphore, #tpu.memory_space<semaphore_mem>>, %arg16: memref<!tpu.dma_semaphore, #tpu.memory_space<semaphore_mem>>, %arg17: memref<!tpu.dma_semaphore, #tpu.memory_space<semaphore_mem>>, %arg18: memref<!tpu.dma_semaphore, #tpu.memory_space<semaphore_mem>>, %arg19: memref<!tpu.dma_semaphore, #tpu.memory_space<semaphore_mem>>, %arg20: memref<!tpu.dma_semaphore, #tpu.memory_space<semaphore_mem>>) attributes {dimension_semantics = [#tpu.dimension_semantics<core_parallel>, #tpu.dimension_semantics<subcore_parallel>], iteration_bounds = array<i64: 2, 16>, scalar_prefetch = 0 : i64, scratch_operands = 16 : i64, tpu.core_type = #tpu.core_type<sc_vector_subcore>, window_params = [{transform_indices = #map}, {transform_indices = #map1}, {transform_indices = #map1}]} {
    %mul3A = arith.constant 2 : i32
    %mul3A_0 = arith.muli %arg1, %mul3A : i32
    %add3A = arith.addi %mul3A_0, %arg0 : i32
    "tpu.region"() ({
      %run_scoped3A = tpu.sem_alloc : memref<!tpu.dma_semaphore, #tpu.memory_space<semaphore_mem>>
      %dma_start3A_235 = arith.constant 0 : i32
      %dma_start3A_236 = arith.constant 0 : i32
      %dma_start3A_237 = tpu.memref_slice %arg2[%add3A, %dma_start3A_235, %dma_start3A_236] : memref<32x50x128xi32, #tpu.memory_space<hbm>> -> memref<1x50x128xi32, #tpu.memory_space<hbm>>
      %dma_start3A_238 = tpu.memref_squeeze %dma_start3A_237 : memref<1x50x128xi32, #tpu.memory_space<hbm>> -> memref<50x128xi32, #tpu.memory_space<hbm>>
      %dma_start3A_239 = arith.constant 0 : i32
      %dma_start3A_240 = arith.constant 0 : i32
      %dma_start3A_241 = tpu.memref_slice %arg2[%add3A, %dma_start3A_239, %dma_start3A_240] : memref<32x50x128xi32, #tpu.memory_space<hbm>> -> memref<1x50x128xi32, #tpu.memory_space<hbm>>
      %dma_start3A_242 = tpu.memref_squeeze %dma_start3A_241 : memref<1x50x128xi32, #tpu.memory_space<hbm>> -> memref<50x128xi32, #tpu.memory_space<hbm>>
      tpu.enqueue_dma source(%dma_start3A_242 : memref<50x128xi32, #tpu.memory_space<hbm>>) target(%arg5 : memref<50x128xi32, #tpu.memory_space<vmem>>) target_semaphore(%run_scoped3A : memref<!tpu.dma_semaphore, #tpu.memory_space<semaphore_mem>>)
      %dma_wait3A_243 = arith.constant 0 : i32
      %dma_wait3A_244 = arith.constant 0 : i32
      %dma_wait3A_245 = tpu.memref_slice %arg2[%add3A, %dma_wait3A_243, %dma_wait3A_244] : memref<32x50x128xi32, #tpu.memory_space<hbm>> -> memref<1x50x128xi32, #tpu.memory_space<hbm>>
      %dma_wait3A_246 = tpu.memref_squeeze %dma_wait3A_245 : memref<1x50x128xi32, #tpu.memory_space<hbm>> -> memref<50x128xi32, #tpu.memory_space<hbm>>
      %dma_wait3A_247 = arith.constant 0 : i32
      %dma_wait3A_248 = arith.constant 0 : i32
      %dma_wait3A_249 = tpu.memref_slice %arg2[%add3A, %dma_wait3A_247, %dma_wait3A_248] : memref<32x50x128xi32, #tpu.memory_space<hbm>> -> memref<1x50x128xi32, #tpu.memory_space<hbm>>
      %dma_wait3A_250 = tpu.memref_squeeze %dma_wait3A_249 : memref<1x50x128xi32, #tpu.memory_space<hbm>> -> memref<50x128xi32, #tpu.memory_space<hbm>>
      tpu.wait_dma2 semaphore(%run_scoped3A : memref<!tpu.dma_semaphore, #tpu.memory_space<semaphore_mem>>) src(%dma_wait3A_250 : memref<50x128xi32, #tpu.memory_space<hbm>>) dst(%arg5 : memref<50x128xi32, #tpu.memory_space<vmem>>)
      tpu.yield
    }) : () -> ()
    %mul3A_1 = arith.constant 6400 : i32
    %mul3A_2 = arith.muli %add3A, %mul3A_1 : i32
    %dma_start3A = arith.constant 0 : i32
    %dma_start3A_3 = arith.constant 0 : i32
    %dma_start3A_4 = tpu.memref_slice %arg5[%dma_start3A, %dma_start3A_3] : memref<50x128xi32, #tpu.memory_space<vmem>> -> memref<1x128xi32, #tpu.memory_space<vmem>>
    %dma_start3A_5 = tpu.memref_squeeze %dma_start3A_4 : memref<1x128xi32, #tpu.memory_space<vmem>> -> memref<128xi32, #tpu.memory_space<vmem>>
    %dma_start3A_6 = arith.constant 0 : i32
    %dma_start3A_7 = arith.constant 0 : i32
    %dma_start3A_8 = tpu.memref_slice %arg3[%dma_start3A_6, %dma_start3A_7] : memref<1000000x128xf32, #tpu.memory_space<hbm>> -> memref<1000000x128xf32, #tpu.memory_space<hbm>>
    tpu.enqueue_indirect_dma source(%dma_start3A_8 : memref<1000000x128xf32, #tpu.memory_space<hbm>>) target(%arg6 : memref<128x128xf32, #tpu.memory_space<vmem>>) offsets(%dma_start3A_5 : memref<128xi32, #tpu.memory_space<vmem>>) semaphore(%arg11 : memref<!tpu.dma_semaphore, #tpu.memory_space<semaphore_mem>>)
    %dma_start3A_9 = arith.constant 1 : i32
    %dma_start3A_10 = arith.constant 0 : i32
    %dma_start3A_11 = tpu.memref_slice %arg5[%dma_start3A_9, %dma_start3A_10] : memref<50x128xi32, #tpu.memory_space<vmem>> -> memref<1x128xi32, #tpu.memory_space<vmem>>
    %dma_start3A_12 = tpu.memref_squeeze %dma_start3A_11 : memref<1x128xi32, #tpu.memory_space<vmem>> -> memref<128xi32, #tpu.memory_space<vmem>>
    %dma_start3A_13 = arith.constant 0 : i32
    %dma_start3A_14 = arith.constant 0 : i32
    %dma_start3A_15 = tpu.memref_slice %arg3[%dma_start3A_13, %dma_start3A_14] : memref<1000000x128xf32, #tpu.memory_space<hbm>> -> memref<1000000x128xf32, #tpu.memory_space<hbm>>
    tpu.enqueue_indirect_dma source(%dma_start3A_15 : memref<1000000x128xf32, #tpu.memory_space<hbm>>) target(%arg7 : memref<128x128xf32, #tpu.memory_space<vmem>>) offsets(%dma_start3A_12 : memref<128xi32, #tpu.memory_space<vmem>>) semaphore(%arg12 : memref<!tpu.dma_semaphore, #tpu.memory_space<semaphore_mem>>)
    %dma_start3A_16 = arith.constant 2 : i32
    %dma_start3A_17 = arith.constant 0 : i32
    %dma_start3A_18 = tpu.memref_slice %arg5[%dma_start3A_16, %dma_start3A_17] : memref<50x128xi32, #tpu.memory_space<vmem>> -> memref<1x128xi32, #tpu.memory_space<vmem>>
    %dma_start3A_19 = tpu.memref_squeeze %dma_start3A_18 : memref<1x128xi32, #tpu.memory_space<vmem>> -> memref<128xi32, #tpu.memory_space<vmem>>
    %dma_start3A_20 = arith.constant 0 : i32
    %dma_start3A_21 = arith.constant 0 : i32
    %dma_start3A_22 = tpu.memref_slice %arg3[%dma_start3A_20, %dma_start3A_21] : memref<1000000x128xf32, #tpu.memory_space<hbm>> -> memref<1000000x128xf32, #tpu.memory_space<hbm>>
    tpu.enqueue_indirect_dma source(%dma_start3A_22 : memref<1000000x128xf32, #tpu.memory_space<hbm>>) target(%arg8 : memref<128x128xf32, #tpu.memory_space<vmem>>) offsets(%dma_start3A_19 : memref<128xi32, #tpu.memory_space<vmem>>) semaphore(%arg13 : memref<!tpu.dma_semaphore, #tpu.memory_space<semaphore_mem>>)
    %dma_start3A_23 = arith.constant 3 : i32
    %dma_start3A_24 = arith.constant 0 : i32
    %dma_start3A_25 = tpu.memref_slice %arg5[%dma_start3A_23, %dma_start3A_24] : memref<50x128xi32, #tpu.memory_space<vmem>> -> memref<1x128xi32, #tpu.memory_space<vmem>>
    %dma_start3A_26 = tpu.memref_squeeze %dma_start3A_25 : memref<1x128xi32, #tpu.memory_space<vmem>> -> memref<128xi32, #tpu.memory_space<vmem>>
    %dma_start3A_27 = arith.constant 0 : i32
    %dma_start3A_28 = arith.constant 0 : i32
    %dma_start3A_29 = tpu.memref_slice %arg3[%dma_start3A_27, %dma_start3A_28] : memref<1000000x128xf32, #tpu.memory_space<hbm>> -> memref<1000000x128xf32, #tpu.memory_space<hbm>>
    tpu.enqueue_indirect_dma source(%dma_start3A_29 : memref<1000000x128xf32, #tpu.memory_space<hbm>>) target(%arg9 : memref<128x128xf32, #tpu.memory_space<vmem>>) offsets(%dma_start3A_26 : memref<128xi32, #tpu.memory_space<vmem>>) semaphore(%arg14 : memref<!tpu.dma_semaphore, #tpu.memory_space<semaphore_mem>>)
    %dma_wait3A = arith.constant 0 : i32
    %dma_wait3A_30 = arith.constant 0 : i32
    %dma_wait3A_31 = tpu.memref_slice %arg3[%dma_wait3A, %dma_wait3A_30] : memref<1000000x128xf32, #tpu.memory_space<hbm>> -> memref<128x128xf32, #tpu.memory_space<hbm>>
    %dma_wait3A_32 = arith.constant 0 : i32
    %dma_wait3A_33 = arith.constant 0 : i32
    %dma_wait3A_34 = tpu.memref_slice %arg3[%dma_wait3A_32, %dma_wait3A_33] : memref<1000000x128xf32, #tpu.memory_space<hbm>> -> memref<128x128xf32, #tpu.memory_space<hbm>>
    tpu.wait_dma2 semaphore(%arg11 : memref<!tpu.dma_semaphore, #tpu.memory_space<semaphore_mem>>) src(%dma_wait3A_34 : memref<128x128xf32, #tpu.memory_space<hbm>>) dst(%arg6 : memref<128x128xf32, #tpu.memory_space<vmem>>)
    %add3A_35 = arith.constant 0 : i32
    %add3A_36 = arith.addi %mul3A_2, %add3A_35 : i32
    %dma_start3A_37 = arith.constant 0 : i32
    %dma_start3A_38 = tpu.memref_slice %arg4[%add3A_36, %dma_start3A_37] : memref<204800x128xf32, #tpu.memory_space<hbm>> -> memref<128x128xf32, #tpu.memory_space<hbm>>
    %dma_start3A_39 = arith.constant 0 : i32
    %dma_start3A_40 = tpu.memref_slice %arg4[%add3A_36, %dma_start3A_39] : memref<204800x128xf32, #tpu.memory_space<hbm>> -> memref<128x128xf32, #tpu.memory_space<hbm>>
    tpu.enqueue_dma source(%arg6 : memref<128x128xf32, #tpu.memory_space<vmem>>) target(%dma_start3A_40 : memref<128x128xf32, #tpu.memory_space<hbm>>) target_semaphore(%arg16 : memref<!tpu.dma_semaphore, #tpu.memory_space<semaphore_mem>>)
    %dma_start3A_41 = arith.constant 4 : i32
    %dma_start3A_42 = arith.constant 0 : i32
    %dma_start3A_43 = tpu.memref_slice %arg5[%dma_start3A_41, %dma_start3A_42] : memref<50x128xi32, #tpu.memory_space<vmem>> -> memref<1x128xi32, #tpu.memory_space<vmem>>
    %dma_start3A_44 = tpu.memref_squeeze %dma_start3A_43 : memref<1x128xi32, #tpu.memory_space<vmem>> -> memref<128xi32, #tpu.memory_space<vmem>>
    %dma_start3A_45 = arith.constant 0 : i32
    %dma_start3A_46 = arith.constant 0 : i32
    %dma_start3A_47 = tpu.memref_slice %arg3[%dma_start3A_45, %dma_start3A_46] : memref<1000000x128xf32, #tpu.memory_space<hbm>> -> memref<1000000x128xf32, #tpu.memory_space<hbm>>
    tpu.enqueue_indirect_dma source(%dma_start3A_47 : memref<1000000x128xf32, #tpu.memory_space<hbm>>) target(%arg10 : memref<128x128xf32, #tpu.memory_space<vmem>>) offsets(%dma_start3A_44 : memref<128xi32, #tpu.memory_space<vmem>>) semaphore(%arg15 : memref<!tpu.dma_semaphore, #tpu.memory_space<semaphore_mem>>)
    %dma_wait3A_48 = arith.constant 0 : i32
    %dma_wait3A_49 = arith.constant 0 : i32
    %dma_wait3A_50 = tpu.memref_slice %arg3[%dma_wait3A_48, %dma_wait3A_49] : memref<1000000x128xf32, #tpu.memory_space<hbm>> -> memref<128x128xf32, #tpu.memory_space<hbm>>
    %dma_wait3A_51 = arith.constant 0 : i32
    %dma_wait3A_52 = arith.constant 0 : i32
    %dma_wait3A_53 = tpu.memref_slice %arg3[%dma_wait3A_51, %dma_wait3A_52] : memref<1000000x128xf32, #tpu.memory_space<hbm>> -> memref<128x128xf32, #tpu.memory_space<hbm>>
    tpu.wait_dma2 semaphore(%arg12 : memref<!tpu.dma_semaphore, #tpu.memory_space<semaphore_mem>>) src(%dma_wait3A_53 : memref<128x128xf32, #tpu.memory_space<hbm>>) dst(%arg7 : memref<128x128xf32, #tpu.memory_space<vmem>>)
    %add3A_54 = arith.constant 128 : i32
    %add3A_55 = arith.addi %mul3A_2, %add3A_54 : i32
    %dma_start3A_56 = arith.constant 0 : i32
    %dma_start3A_57 = tpu.memref_slice %arg4[%add3A_55, %dma_start3A_56] : memref<204800x128xf32, #tpu.memory_space<hbm>> -> memref<128x128xf32, #tpu.memory_space<hbm>>
    %dma_start3A_58 = arith.constant 0 : i32
    %dma_start3A_59 = tpu.memref_slice %arg4[%add3A_55, %dma_start3A_58] : memref<204800x128xf32, #tpu.memory_space<hbm>> -> memref<128x128xf32, #tpu.memory_space<hbm>>
    tpu.enqueue_dma source(%arg7 : memref<128x128xf32, #tpu.memory_space<vmem>>) target(%dma_start3A_59 : memref<128x128xf32, #tpu.memory_space<hbm>>) target_semaphore(%arg17 : memref<!tpu.dma_semaphore, #tpu.memory_space<semaphore_mem>>)
    %dma_wait3A_60 = arith.constant 0 : i32
    %dma_wait3A_61 = tpu.memref_slice %arg4[%mul3A_2, %dma_wait3A_60] : memref<204800x128xf32, #tpu.memory_space<hbm>> -> memref<128x128xf32, #tpu.memory_space<hbm>>
    %dma_wait3A_62 = arith.constant 0 : i32
    %dma_wait3A_63 = tpu.memref_slice %arg4[%mul3A_2, %dma_wait3A_62] : memref<204800x128xf32, #tpu.memory_space<hbm>> -> memref<128x128xf32, #tpu.memory_space<hbm>>
    tpu.wait_dma2 semaphore(%arg16 : memref<!tpu.dma_semaphore, #tpu.memory_space<semaphore_mem>>) src(%dma_wait3A_63 : memref<128x128xf32, #tpu.memory_space<hbm>>) dst(%arg6 : memref<128x128xf32, #tpu.memory_space<vmem>>)
    %dma_start3A_64 = arith.constant 5 : i32
    %dma_start3A_65 = arith.constant 0 : i32
    %dma_start3A_66 = tpu.memref_slice %arg5[%dma_start3A_64, %dma_start3A_65] : memref<50x128xi32, #tpu.memory_space<vmem>> -> memref<1x128xi32, #tpu.memory_space<vmem>>
    %dma_start3A_67 = tpu.memref_squeeze %dma_start3A_66 : memref<1x128xi32, #tpu.memory_space<vmem>> -> memref<128xi32, #tpu.memory_space<vmem>>
    %dma_start3A_68 = arith.constant 0 : i32
    %dma_start3A_69 = arith.constant 0 : i32
    %dma_start3A_70 = tpu.memref_slice %arg3[%dma_start3A_68, %dma_start3A_69] : memref<1000000x128xf32, #tpu.memory_space<hbm>> -> memref<1000000x128xf32, #tpu.memory_space<hbm>>
    tpu.enqueue_indirect_dma source(%dma_start3A_70 : memref<1000000x128xf32, #tpu.memory_space<hbm>>) target(%arg6 : memref<128x128xf32, #tpu.memory_space<vmem>>) offsets(%dma_start3A_67 : memref<128xi32, #tpu.memory_space<vmem>>) semaphore(%arg11 : memref<!tpu.dma_semaphore, #tpu.memory_space<semaphore_mem>>)
    %dma_wait3A_71 = arith.constant 0 : i32
    %dma_wait3A_72 = arith.constant 0 : i32
    %dma_wait3A_73 = tpu.memref_slice %arg3[%dma_wait3A_71, %dma_wait3A_72] : memref<1000000x128xf32, #tpu.memory_space<hbm>> -> memref<128x128xf32, #tpu.memory_space<hbm>>
    %dma_wait3A_74 = arith.constant 0 : i32
    %dma_wait3A_75 = arith.constant 0 : i32
    %dma_wait3A_76 = tpu.memref_slice %arg3[%dma_wait3A_74, %dma_wait3A_75] : memref<1000000x128xf32, #tpu.memory_space<hbm>> -> memref<128x128xf32, #tpu.memory_space<hbm>>
    tpu.wait_dma2 semaphore(%arg13 : memref<!tpu.dma_semaphore, #tpu.memory_space<semaphore_mem>>) src(%dma_wait3A_76 : memref<128x128xf32, #tpu.memory_space<hbm>>) dst(%arg8 : memref<128x128xf32, #tpu.memory_space<vmem>>)
    %add3A_77 = arith.constant 256 : i32
    %add3A_78 = arith.addi %mul3A_2, %add3A_77 : i32
    %dma_start3A_79 = arith.constant 0 : i32
    %dma_start3A_80 = tpu.memref_slice %arg4[%add3A_78, %dma_start3A_79] : memref<204800x128xf32, #tpu.memory_space<hbm>> -> memref<128x128xf32, #tpu.memory_space<hbm>>
    %dma_start3A_81 = arith.constant 0 : i32
    %dma_start3A_82 = tpu.memref_slice %arg4[%add3A_78, %dma_start3A_81] : memref<204800x128xf32, #tpu.memory_space<hbm>> -> memref<128x128xf32, #tpu.memory_space<hbm>>
    tpu.enqueue_dma source(%arg8 : memref<128x128xf32, #tpu.memory_space<vmem>>) target(%dma_start3A_82 : memref<128x128xf32, #tpu.memory_space<hbm>>) target_semaphore(%arg18 : memref<!tpu.dma_semaphore, #tpu.memory_space<semaphore_mem>>)
    %dma_wait3A_83 = arith.constant 0 : i32
    %dma_wait3A_84 = tpu.memref_slice %arg4[%mul3A_2, %dma_wait3A_83] : memref<204800x128xf32, #tpu.memory_space<hbm>> -> memref<128x128xf32, #tpu.memory_space<hbm>>
    %dma_wait3A_85 = arith.constant 0 : i32
    %dma_wait3A_86 = tpu.memref_slice %arg4[%mul3A_2, %dma_wait3A_85] : memref<204800x128xf32, #tpu.memory_space<hbm>> -> memref<128x128xf32, #tpu.memory_space<hbm>>
    tpu.wait_dma2 semaphore(%arg17 : memref<!tpu.dma_semaphore, #tpu.memory_space<semaphore_mem>>) src(%dma_wait3A_86 : memref<128x128xf32, #tpu.memory_space<hbm>>) dst(%arg7 : memref<128x128xf32, #tpu.memory_space<vmem>>)
    %dma_start3A_87 = arith.constant 6 : i32
    %dma_start3A_88 = arith.constant 0 : i32
    %dma_start3A_89 = tpu.memref_slice %arg5[%dma_start3A_87, %dma_start3A_88] : memref<50x128xi32, #tpu.memory_space<vmem>> -> memref<1x128xi32, #tpu.memory_space<vmem>>
    %dma_start3A_90 = tpu.memref_squeeze %dma_start3A_89 : memref<1x128xi32, #tpu.memory_space<vmem>> -> memref<128xi32, #tpu.memory_space<vmem>>
    %dma_start3A_91 = arith.constant 0 : i32
    %dma_start3A_92 = arith.constant 0 : i32
    %dma_start3A_93 = tpu.memref_slice %arg3[%dma_start3A_91, %dma_start3A_92] : memref<1000000x128xf32, #tpu.memory_space<hbm>> -> memref<1000000x128xf32, #tpu.memory_space<hbm>>
    tpu.enqueue_indirect_dma source(%dma_start3A_93 : memref<1000000x128xf32, #tpu.memory_space<hbm>>) target(%arg7 : memref<128x128xf32, #tpu.memory_space<vmem>>) offsets(%dma_start3A_90 : memref<128xi32, #tpu.memory_space<vmem>>) semaphore(%arg12 : memref<!tpu.dma_semaphore, #tpu.memory_space<semaphore_mem>>)
    %dma_wait3A_94 = arith.constant 0 : i32
    %dma_wait3A_95 = arith.constant 0 : i32
    %dma_wait3A_96 = tpu.memref_slice %arg3[%dma_wait3A_94, %dma_wait3A_95] : memref<1000000x128xf32, #tpu.memory_space<hbm>> -> memref<128x128xf32, #tpu.memory_space<hbm>>
    %dma_wait3A_97 = arith.constant 0 : i32
    %dma_wait3A_98 = arith.constant 0 : i32
    %dma_wait3A_99 = tpu.memref_slice %arg3[%dma_wait3A_97, %dma_wait3A_98] : memref<1000000x128xf32, #tpu.memory_space<hbm>> -> memref<128x128xf32, #tpu.memory_space<hbm>>
    tpu.wait_dma2 semaphore(%arg14 : memref<!tpu.dma_semaphore, #tpu.memory_space<semaphore_mem>>) src(%dma_wait3A_99 : memref<128x128xf32, #tpu.memory_space<hbm>>) dst(%arg9 : memref<128x128xf32, #tpu.memory_space<vmem>>)
    %add3A_100 = arith.constant 384 : i32
    %add3A_101 = arith.addi %mul3A_2, %add3A_100 : i32
    %dma_start3A_102 = arith.constant 0 : i32
    %dma_start3A_103 = tpu.memref_slice %arg4[%add3A_101, %dma_start3A_102] : memref<204800x128xf32, #tpu.memory_space<hbm>> -> memref<128x128xf32, #tpu.memory_space<hbm>>
    %dma_start3A_104 = arith.constant 0 : i32
    %dma_start3A_105 = tpu.memref_slice %arg4[%add3A_101, %dma_start3A_104] : memref<204800x128xf32, #tpu.memory_space<hbm>> -> memref<128x128xf32, #tpu.memory_space<hbm>>
    tpu.enqueue_dma source(%arg9 : memref<128x128xf32, #tpu.memory_space<vmem>>) target(%dma_start3A_105 : memref<128x128xf32, #tpu.memory_space<hbm>>) target_semaphore(%arg19 : memref<!tpu.dma_semaphore, #tpu.memory_space<semaphore_mem>>)
    %dma_wait3A_106 = arith.constant 0 : i32
    %dma_wait3A_107 = tpu.memref_slice %arg4[%mul3A_2, %dma_wait3A_106] : memref<204800x128xf32, #tpu.memory_space<hbm>> -> memref<128x128xf32, #tpu.memory_space<hbm>>
    %dma_wait3A_108 = arith.constant 0 : i32
    %dma_wait3A_109 = tpu.memref_slice %arg4[%mul3A_2, %dma_wait3A_108] : memref<204800x128xf32, #tpu.memory_space<hbm>> -> memref<128x128xf32, #tpu.memory_space<hbm>>
    tpu.wait_dma2 semaphore(%arg18 : memref<!tpu.dma_semaphore, #tpu.memory_space<semaphore_mem>>) src(%dma_wait3A_109 : memref<128x128xf32, #tpu.memory_space<hbm>>) dst(%arg8 : memref<128x128xf32, #tpu.memory_space<vmem>>)
    %dma_start3A_110 = arith.constant 7 : i32
    %dma_start3A_111 = arith.constant 0 : i32
    %dma_start3A_112 = tpu.memref_slice %arg5[%dma_start3A_110, %dma_start3A_111] : memref<50x128xi32, #tpu.memory_space<vmem>> -> memref<1x128xi32, #tpu.memory_space<vmem>>
    %dma_start3A_113 = tpu.memref_squeeze %dma_start3A_112 : memref<1x128xi32, #tpu.memory_space<vmem>> -> memref<128xi32, #tpu.memory_space<vmem>>
    %dma_start3A_114 = arith.constant 0 : i32
    %dma_start3A_115 = arith.constant 0 : i32
    %dma_start3A_116 = tpu.memref_slice %arg3[%dma_start3A_114, %dma_start3A_115] : memref<1000000x128xf32, #tpu.memory_space<hbm>> -> memref<1000000x128xf32, #tpu.memory_space<hbm>>
    tpu.enqueue_indirect_dma source(%dma_start3A_116 : memref<1000000x128xf32, #tpu.memory_space<hbm>>) target(%arg8 : memref<128x128xf32, #tpu.memory_space<vmem>>) offsets(%dma_start3A_113 : memref<128xi32, #tpu.memory_space<vmem>>) semaphore(%arg13 : memref<!tpu.dma_semaphore, #tpu.memory_space<semaphore_mem>>)
    %dma_wait3A_117 = arith.constant 0 : i32
    %dma_wait3A_118 = arith.constant 0 : i32
    %dma_wait3A_119 = tpu.memref_slice %arg3[%dma_wait3A_117, %dma_wait3A_118] : memref<1000000x128xf32, #tpu.memory_space<hbm>> -> memref<128x128xf32, #tpu.memory_space<hbm>>
    %dma_wait3A_120 = arith.constant 0 : i32
    %dma_wait3A_121 = arith.constant 0 : i32
    %dma_wait3A_122 = tpu.memref_slice %arg3[%dma_wait3A_120, %dma_wait3A_121] : memref<1000000x128xf32, #tpu.memory_space<hbm>> -> memref<128x128xf32, #tpu.memory_space<hbm>>
    tpu.wait_dma2 semaphore(%arg15 : memref<!tpu.dma_semaphore, #tpu.memory_space<semaphore_mem>>) src(%dma_wait3A_122 : memref<128x128xf32, #tpu.memory_space<hbm>>) dst(%arg10 : memref<128x128xf32, #tpu.memory_space<vmem>>)
    %add3A_123 = arith.constant 512 : i32
    %add3A_124 = arith.addi %mul3A_2, %add3A_123 : i32
    %dma_start3A_125 = arith.constant 0 : i32
    %dma_start3A_126 = tpu.memref_slice %arg4[%add3A_124, %dma_start3A_125] : memref<204800x128xf32, #tpu.memory_space<hbm>> -> memref<128x128xf32, #tpu.memory_space<hbm>>
    %dma_start3A_127 = arith.constant 0 : i32
    %dma_start3A_128 = tpu.memref_slice %arg4[%add3A_124, %dma_start3A_127] : memref<204800x128xf32, #tpu.memory_space<hbm>> -> memref<128x128xf32, #tpu.memory_space<hbm>>
    tpu.enqueue_dma source(%arg10 : memref<128x128xf32, #tpu.memory_space<vmem>>) target(%dma_start3A_128 : memref<128x128xf32, #tpu.memory_space<hbm>>) target_semaphore(%arg20 : memref<!tpu.dma_semaphore, #tpu.memory_space<semaphore_mem>>)
    %scan3A = arith.constant 0 : i32
    %scan3A_129 = arith.constant 8 : i32
    %scan3A_130 = arith.addi %scan3A, %scan3A_129 : i32
    %scan3A_131 = arith.constant 1 : i32
    scf.for %scan3A_235 = %scan3A to %scan3A_130 step %scan3A_131  : i32 {
      %mul3A_236 = arith.constant 1 : i32
      %mul3A_237 = arith.muli %scan3A_235, %mul3A_236 : i32
      %add3A_238 = arith.constant 1 : i32
      %add3A_239 = arith.addi %add3A_238, %mul3A_237 : i32
      %mul3A_240 = arith.constant 5 : i32
      %mul3A_241 = arith.muli %add3A_239, %mul3A_240 : i32
      %dma_wait3A_242 = arith.constant 0 : i32
      %dma_wait3A_243 = tpu.memref_slice %arg4[%mul3A_2, %dma_wait3A_242] : memref<204800x128xf32, #tpu.memory_space<hbm>> -> memref<128x128xf32, #tpu.memory_space<hbm>>
      %dma_wait3A_244 = arith.constant 0 : i32
      %dma_wait3A_245 = tpu.memref_slice %arg4[%mul3A_2, %dma_wait3A_244] : memref<204800x128xf32, #tpu.memory_space<hbm>> -> memref<128x128xf32, #tpu.memory_space<hbm>>
      tpu.wait_dma2 semaphore(%arg19 : memref<!tpu.dma_semaphore, #tpu.memory_space<semaphore_mem>>) src(%dma_wait3A_245 : memref<128x128xf32, #tpu.memory_space<hbm>>) dst(%arg9 : memref<128x128xf32, #tpu.memory_space<vmem>>)
      %add3A_246 = arith.constant 0 : i32
      %add3A_247 = arith.addi %mul3A_241, %add3A_246 : i32
      %add3A_248 = arith.constant 3 : i32
      %add3A_249 = arith.addi %add3A_247, %add3A_248 : i32
      %dma_start3A_250 = arith.constant 0 : i32
      %dma_start3A_251 = tpu.memref_slice %arg5[%add3A_249, %dma_start3A_250] : memref<50x128xi32, #tpu.memory_space<vmem>> -> memref<1x128xi32, #tpu.memory_space<vmem>>
      %dma_start3A_252 = tpu.memref_squeeze %dma_start3A_251 : memref<1x128xi32, #tpu.memory_space<vmem>> -> memref<128xi32, #tpu.memory_space<vmem>>
      %dma_start3A_253 = arith.constant 0 : i32
      %dma_start3A_254 = arith.constant 0 : i32
      %dma_start3A_255 = tpu.memref_slice %arg3[%dma_start3A_253, %dma_start3A_254] : memref<1000000x128xf32, #tpu.memory_space<hbm>> -> memref<1000000x128xf32, #tpu.memory_space<hbm>>
      tpu.enqueue_indirect_dma source(%dma_start3A_255 : memref<1000000x128xf32, #tpu.memory_space<hbm>>) target(%arg9 : memref<128x128xf32, #tpu.memory_space<vmem>>) offsets(%dma_start3A_252 : memref<128xi32, #tpu.memory_space<vmem>>) semaphore(%arg14 : memref<!tpu.dma_semaphore, #tpu.memory_space<semaphore_mem>>)
      %dma_wait3A_256 = arith.constant 0 : i32
      %dma_wait3A_257 = arith.constant 0 : i32
      %dma_wait3A_258 = tpu.memref_slice %arg3[%dma_wait3A_256, %dma_wait3A_257] : memref<1000000x128xf32, #tpu.memory_space<hbm>> -> memref<128x128xf32, #tpu.memory_space<hbm>>
      %dma_wait3A_259 = arith.constant 0 : i32
      %dma_wait3A_260 = arith.constant 0 : i32
      %dma_wait3A_261 = tpu.memref_slice %arg3[%dma_wait3A_259, %dma_wait3A_260] : memref<1000000x128xf32, #tpu.memory_space<hbm>> -> memref<128x128xf32, #tpu.memory_space<hbm>>
      tpu.wait_dma2 semaphore(%arg11 : memref<!tpu.dma_semaphore, #tpu.memory_space<semaphore_mem>>) src(%dma_wait3A_261 : memref<128x128xf32, #tpu.memory_space<hbm>>) dst(%arg6 : memref<128x128xf32, #tpu.memory_space<vmem>>)
      %add3A_262 = arith.constant 0 : i32
      %add3A_263 = arith.addi %mul3A_241, %add3A_262 : i32
      %mul3A_264 = arith.constant 128 : i32
      %mul3A_265 = arith.muli %add3A_263, %mul3A_264 : i32
      %add3A_266 = arith.addi %mul3A_2, %mul3A_265 : i32
      %dma_start3A_267 = arith.constant 0 : i32
      %dma_start3A_268 = tpu.memref_slice %arg4[%add3A_266, %dma_start3A_267] : memref<204800x128xf32, #tpu.memory_space<hbm>> -> memref<128x128xf32, #tpu.memory_space<hbm>>
      %dma_start3A_269 = arith.constant 0 : i32
      %dma_start3A_270 = tpu.memref_slice %arg4[%add3A_266, %dma_start3A_269] : memref<204800x128xf32, #tpu.memory_space<hbm>> -> memref<128x128xf32, #tpu.memory_space<hbm>>
      tpu.enqueue_dma source(%arg6 : memref<128x128xf32, #tpu.memory_space<vmem>>) target(%dma_start3A_270 : memref<128x128xf32, #tpu.memory_space<hbm>>) target_semaphore(%arg16 : memref<!tpu.dma_semaphore, #tpu.memory_space<semaphore_mem>>)
      %dma_wait3A_271 = arith.constant 0 : i32
      %dma_wait3A_272 = tpu.memref_slice %arg4[%mul3A_2, %dma_wait3A_271] : memref<204800x128xf32, #tpu.memory_space<hbm>> -> memref<128x128xf32, #tpu.memory_space<hbm>>
      %dma_wait3A_273 = arith.constant 0 : i32
      %dma_wait3A_274 = tpu.memref_slice %arg4[%mul3A_2, %dma_wait3A_273] : memref<204800x128xf32, #tpu.memory_space<hbm>> -> memref<128x128xf32, #tpu.memory_space<hbm>>
      tpu.wait_dma2 semaphore(%arg20 : memref<!tpu.dma_semaphore, #tpu.memory_space<semaphore_mem>>) src(%dma_wait3A_274 : memref<128x128xf32, #tpu.memory_space<hbm>>) dst(%arg10 : memref<128x128xf32, #tpu.memory_space<vmem>>)
      %add3A_275 = arith.constant 1 : i32
      %add3A_276 = arith.addi %mul3A_241, %add3A_275 : i32
      %add3A_277 = arith.constant 3 : i32
      %add3A_278 = arith.addi %add3A_276, %add3A_277 : i32
      %dma_start3A_279 = arith.constant 0 : i32
      %dma_start3A_280 = tpu.memref_slice %arg5[%add3A_278, %dma_start3A_279] : memref<50x128xi32, #tpu.memory_space<vmem>> -> memref<1x128xi32, #tpu.memory_space<vmem>>
      %dma_start3A_281 = tpu.memref_squeeze %dma_start3A_280 : memref<1x128xi32, #tpu.memory_space<vmem>> -> memref<128xi32, #tpu.memory_space<vmem>>
      %dma_start3A_282 = arith.constant 0 : i32
      %dma_start3A_283 = arith.constant 0 : i32
      %dma_start3A_284 = tpu.memref_slice %arg3[%dma_start3A_282, %dma_start3A_283] : memref<1000000x128xf32, #tpu.memory_space<hbm>> -> memref<1000000x128xf32, #tpu.memory_space<hbm>>
      tpu.enqueue_indirect_dma source(%dma_start3A_284 : memref<1000000x128xf32, #tpu.memory_space<hbm>>) target(%arg10 : memref<128x128xf32, #tpu.memory_space<vmem>>) offsets(%dma_start3A_281 : memref<128xi32, #tpu.memory_space<vmem>>) semaphore(%arg15 : memref<!tpu.dma_semaphore, #tpu.memory_space<semaphore_mem>>)
      %dma_wait3A_285 = arith.constant 0 : i32
      %dma_wait3A_286 = arith.constant 0 : i32
      %dma_wait3A_287 = tpu.memref_slice %arg3[%dma_wait3A_285, %dma_wait3A_286] : memref<1000000x128xf32, #tpu.memory_space<hbm>> -> memref<128x128xf32, #tpu.memory_space<hbm>>
      %dma_wait3A_288 = arith.constant 0 : i32
      %dma_wait3A_289 = arith.constant 0 : i32
      %dma_wait3A_290 = tpu.memref_slice %arg3[%dma_wait3A_288, %dma_wait3A_289] : memref<1000000x128xf32, #tpu.memory_space<hbm>> -> memref<128x128xf32, #tpu.memory_space<hbm>>
      tpu.wait_dma2 semaphore(%arg12 : memref<!tpu.dma_semaphore, #tpu.memory_space<semaphore_mem>>) src(%dma_wait3A_290 : memref<128x128xf32, #tpu.memory_space<hbm>>) dst(%arg7 : memref<128x128xf32, #tpu.memory_space<vmem>>)
      %add3A_291 = arith.constant 1 : i32
      %add3A_292 = arith.addi %mul3A_241, %add3A_291 : i32
      %mul3A_293 = arith.constant 128 : i32
      %mul3A_294 = arith.muli %add3A_292, %mul3A_293 : i32
      %add3A_295 = arith.addi %mul3A_2, %mul3A_294 : i32
      %dma_start3A_296 = arith.constant 0 : i32
      %dma_start3A_297 = tpu.memref_slice %arg4[%add3A_295, %dma_start3A_296] : memref<204800x128xf32, #tpu.memory_space<hbm>> -> memref<128x128xf32, #tpu.memory_space<hbm>>
      %dma_start3A_298 = arith.constant 0 : i32
      %dma_start3A_299 = tpu.memref_slice %arg4[%add3A_295, %dma_start3A_298] : memref<204800x128xf32, #tpu.memory_space<hbm>> -> memref<128x128xf32, #tpu.memory_space<hbm>>
      tpu.enqueue_dma source(%arg7 : memref<128x128xf32, #tpu.memory_space<vmem>>) target(%dma_start3A_299 : memref<128x128xf32, #tpu.memory_space<hbm>>) target_semaphore(%arg17 : memref<!tpu.dma_semaphore, #tpu.memory_space<semaphore_mem>>)
      %dma_wait3A_300 = arith.constant 0 : i32
      %dma_wait3A_301 = tpu.memref_slice %arg4[%mul3A_2, %dma_wait3A_300] : memref<204800x128xf32, #tpu.memory_space<hbm>> -> memref<128x128xf32, #tpu.memory_space<hbm>>
      %dma_wait3A_302 = arith.constant 0 : i32
      %dma_wait3A_303 = tpu.memref_slice %arg4[%mul3A_2, %dma_wait3A_302] : memref<204800x128xf32, #tpu.memory_space<hbm>> -> memref<128x128xf32, #tpu.memory_space<hbm>>
      tpu.wait_dma2 semaphore(%arg16 : memref<!tpu.dma_semaphore, #tpu.memory_space<semaphore_mem>>) src(%dma_wait3A_303 : memref<128x128xf32, #tpu.memory_space<hbm>>) dst(%arg6 : memref<128x128xf32, #tpu.memory_space<vmem>>)
      %add3A_304 = arith.constant 2 : i32
      %add3A_305 = arith.addi %mul3A_241, %add3A_304 : i32
      %add3A_306 = arith.constant 3 : i32
      %add3A_307 = arith.addi %add3A_305, %add3A_306 : i32
      %dma_start3A_308 = arith.constant 0 : i32
      %dma_start3A_309 = tpu.memref_slice %arg5[%add3A_307, %dma_start3A_308] : memref<50x128xi32, #tpu.memory_space<vmem>> -> memref<1x128xi32, #tpu.memory_space<vmem>>
      %dma_start3A_310 = tpu.memref_squeeze %dma_start3A_309 : memref<1x128xi32, #tpu.memory_space<vmem>> -> memref<128xi32, #tpu.memory_space<vmem>>
      %dma_start3A_311 = arith.constant 0 : i32
      %dma_start3A_312 = arith.constant 0 : i32
      %dma_start3A_313 = tpu.memref_slice %arg3[%dma_start3A_311, %dma_start3A_312] : memref<1000000x128xf32, #tpu.memory_space<hbm>> -> memref<1000000x128xf32, #tpu.memory_space<hbm>>
      tpu.enqueue_indirect_dma source(%dma_start3A_313 : memref<1000000x128xf32, #tpu.memory_space<hbm>>) target(%arg6 : memref<128x128xf32, #tpu.memory_space<vmem>>) offsets(%dma_start3A_310 : memref<128xi32, #tpu.memory_space<vmem>>) semaphore(%arg11 : memref<!tpu.dma_semaphore, #tpu.memory_space<semaphore_mem>>)
      %dma_wait3A_314 = arith.constant 0 : i32
      %dma_wait3A_315 = arith.constant 0 : i32
      %dma_wait3A_316 = tpu.memref_slice %arg3[%dma_wait3A_314, %dma_wait3A_315] : memref<1000000x128xf32, #tpu.memory_space<hbm>> -> memref<128x128xf32, #tpu.memory_space<hbm>>
      %dma_wait3A_317 = arith.constant 0 : i32
      %dma_wait3A_318 = arith.constant 0 : i32
      %dma_wait3A_319 = tpu.memref_slice %arg3[%dma_wait3A_317, %dma_wait3A_318] : memref<1000000x128xf32, #tpu.memory_space<hbm>> -> memref<128x128xf32, #tpu.memory_space<hbm>>
      tpu.wait_dma2 semaphore(%arg13 : memref<!tpu.dma_semaphore, #tpu.memory_space<semaphore_mem>>) src(%dma_wait3A_319 : memref<128x128xf32, #tpu.memory_space<hbm>>) dst(%arg8 : memref<128x128xf32, #tpu.memory_space<vmem>>)
      %add3A_320 = arith.constant 2 : i32
      %add3A_321 = arith.addi %mul3A_241, %add3A_320 : i32
      %mul3A_322 = arith.constant 128 : i32
      %mul3A_323 = arith.muli %add3A_321, %mul3A_322 : i32
      %add3A_324 = arith.addi %mul3A_2, %mul3A_323 : i32
      %dma_start3A_325 = arith.constant 0 : i32
      %dma_start3A_326 = tpu.memref_slice %arg4[%add3A_324, %dma_start3A_325] : memref<204800x128xf32, #tpu.memory_space<hbm>> -> memref<128x128xf32, #tpu.memory_space<hbm>>
      %dma_start3A_327 = arith.constant 0 : i32
      %dma_start3A_328 = tpu.memref_slice %arg4[%add3A_324, %dma_start3A_327] : memref<204800x128xf32, #tpu.memory_space<hbm>> -> memref<128x128xf32, #tpu.memory_space<hbm>>
      tpu.enqueue_dma source(%arg8 : memref<128x128xf32, #tpu.memory_space<vmem>>) target(%dma_start3A_328 : memref<128x128xf32, #tpu.memory_space<hbm>>) target_semaphore(%arg18 : memref<!tpu.dma_semaphore, #tpu.memory_space<semaphore_mem>>)
      %dma_wait3A_329 = arith.constant 0 : i32
      %dma_wait3A_330 = tpu.memref_slice %arg4[%mul3A_2, %dma_wait3A_329] : memref<204800x128xf32, #tpu.memory_space<hbm>> -> memref<128x128xf32, #tpu.memory_space<hbm>>
      %dma_wait3A_331 = arith.constant 0 : i32
      %dma_wait3A_332 = tpu.memref_slice %arg4[%mul3A_2, %dma_wait3A_331] : memref<204800x128xf32, #tpu.memory_space<hbm>> -> memref<128x128xf32, #tpu.memory_space<hbm>>
      tpu.wait_dma2 semaphore(%arg17 : memref<!tpu.dma_semaphore, #tpu.memory_space<semaphore_mem>>) src(%dma_wait3A_332 : memref<128x128xf32, #tpu.memory_space<hbm>>) dst(%arg7 : memref<128x128xf32, #tpu.memory_space<vmem>>)
      %add3A_333 = arith.constant 3 : i32
      %add3A_334 = arith.addi %mul3A_241, %add3A_333 : i32
      %add3A_335 = arith.constant 3 : i32
      %add3A_336 = arith.addi %add3A_334, %add3A_335 : i32
      %dma_start3A_337 = arith.constant 0 : i32
      %dma_start3A_338 = tpu.memref_slice %arg5[%add3A_336, %dma_start3A_337] : memref<50x128xi32, #tpu.memory_space<vmem>> -> memref<1x128xi32, #tpu.memory_space<vmem>>
      %dma_start3A_339 = tpu.memref_squeeze %dma_start3A_338 : memref<1x128xi32, #tpu.memory_space<vmem>> -> memref<128xi32, #tpu.memory_space<vmem>>
      %dma_start3A_340 = arith.constant 0 : i32
      %dma_start3A_341 = arith.constant 0 : i32
      %dma_start3A_342 = tpu.memref_slice %arg3[%dma_start3A_340, %dma_start3A_341] : memref<1000000x128xf32, #tpu.memory_space<hbm>> -> memref<1000000x128xf32, #tpu.memory_space<hbm>>
      tpu.enqueue_indirect_dma source(%dma_start3A_342 : memref<1000000x128xf32, #tpu.memory_space<hbm>>) target(%arg7 : memref<128x128xf32, #tpu.memory_space<vmem>>) offsets(%dma_start3A_339 : memref<128xi32, #tpu.memory_space<vmem>>) semaphore(%arg12 : memref<!tpu.dma_semaphore, #tpu.memory_space<semaphore_mem>>)
      %dma_wait3A_343 = arith.constant 0 : i32
      %dma_wait3A_344 = arith.constant 0 : i32
      %dma_wait3A_345 = tpu.memref_slice %arg3[%dma_wait3A_343, %dma_wait3A_344] : memref<1000000x128xf32, #tpu.memory_space<hbm>> -> memref<128x128xf32, #tpu.memory_space<hbm>>
      %dma_wait3A_346 = arith.constant 0 : i32
      %dma_wait3A_347 = arith.constant 0 : i32
      %dma_wait3A_348 = tpu.memref_slice %arg3[%dma_wait3A_346, %dma_wait3A_347] : memref<1000000x128xf32, #tpu.memory_space<hbm>> -> memref<128x128xf32, #tpu.memory_space<hbm>>
      tpu.wait_dma2 semaphore(%arg14 : memref<!tpu.dma_semaphore, #tpu.memory_space<semaphore_mem>>) src(%dma_wait3A_348 : memref<128x128xf32, #tpu.memory_space<hbm>>) dst(%arg9 : memref<128x128xf32, #tpu.memory_space<vmem>>)
      %add3A_349 = arith.constant 3 : i32
      %add3A_350 = arith.addi %mul3A_241, %add3A_349 : i32
      %mul3A_351 = arith.constant 128 : i32
      %mul3A_352 = arith.muli %add3A_350, %mul3A_351 : i32
      %add3A_353 = arith.addi %mul3A_2, %mul3A_352 : i32
      %dma_start3A_354 = arith.constant 0 : i32
      %dma_start3A_355 = tpu.memref_slice %arg4[%add3A_353, %dma_start3A_354] : memref<204800x128xf32, #tpu.memory_space<hbm>> -> memref<128x128xf32, #tpu.memory_space<hbm>>
      %dma_start3A_356 = arith.constant 0 : i32
      %dma_start3A_357 = tpu.memref_slice %arg4[%add3A_353, %dma_start3A_356] : memref<204800x128xf32, #tpu.memory_space<hbm>> -> memref<128x128xf32, #tpu.memory_space<hbm>>
      tpu.enqueue_dma source(%arg9 : memref<128x128xf32, #tpu.memory_space<vmem>>) target(%dma_start3A_357 : memref<128x128xf32, #tpu.memory_space<hbm>>) target_semaphore(%arg19 : memref<!tpu.dma_semaphore, #tpu.memory_space<semaphore_mem>>)
      %dma_wait3A_358 = arith.constant 0 : i32
      %dma_wait3A_359 = tpu.memref_slice %arg4[%mul3A_2, %dma_wait3A_358] : memref<204800x128xf32, #tpu.memory_space<hbm>> -> memref<128x128xf32, #tpu.memory_space<hbm>>
      %dma_wait3A_360 = arith.constant 0 : i32
      %dma_wait3A_361 = tpu.memref_slice %arg4[%mul3A_2, %dma_wait3A_360] : memref<204800x128xf32, #tpu.memory_space<hbm>> -> memref<128x128xf32, #tpu.memory_space<hbm>>
      tpu.wait_dma2 semaphore(%arg18 : memref<!tpu.dma_semaphore, #tpu.memory_space<semaphore_mem>>) src(%dma_wait3A_361 : memref<128x128xf32, #tpu.memory_space<hbm>>) dst(%arg8 : memref<128x128xf32, #tpu.memory_space<vmem>>)
      %add3A_362 = arith.constant 4 : i32
      %add3A_363 = arith.addi %mul3A_241, %add3A_362 : i32
      %add3A_364 = arith.constant 3 : i32
      %add3A_365 = arith.addi %add3A_363, %add3A_364 : i32
      %dma_start3A_366 = arith.constant 0 : i32
      %dma_start3A_367 = tpu.memref_slice %arg5[%add3A_365, %dma_start3A_366] : memref<50x128xi32, #tpu.memory_space<vmem>> -> memref<1x128xi32, #tpu.memory_space<vmem>>
      %dma_start3A_368 = tpu.memref_squeeze %dma_start3A_367 : memref<1x128xi32, #tpu.memory_space<vmem>> -> memref<128xi32, #tpu.memory_space<vmem>>
      %dma_start3A_369 = arith.constant 0 : i32
      %dma_start3A_370 = arith.constant 0 : i32
      %dma_start3A_371 = tpu.memref_slice %arg3[%dma_start3A_369, %dma_start3A_370] : memref<1000000x128xf32, #tpu.memory_space<hbm>> -> memref<1000000x128xf32, #tpu.memory_space<hbm>>
      tpu.enqueue_indirect_dma source(%dma_start3A_371 : memref<1000000x128xf32, #tpu.memory_space<hbm>>) target(%arg8 : memref<128x128xf32, #tpu.memory_space<vmem>>) offsets(%dma_start3A_368 : memref<128xi32, #tpu.memory_space<vmem>>) semaphore(%arg13 : memref<!tpu.dma_semaphore, #tpu.memory_space<semaphore_mem>>)
      %dma_wait3A_372 = arith.constant 0 : i32
      %dma_wait3A_373 = arith.constant 0 : i32
      %dma_wait3A_374 = tpu.memref_slice %arg3[%dma_wait3A_372, %dma_wait3A_373] : memref<1000000x128xf32, #tpu.memory_space<hbm>> -> memref<128x128xf32, #tpu.memory_space<hbm>>
      %dma_wait3A_375 = arith.constant 0 : i32
      %dma_wait3A_376 = arith.constant 0 : i32
      %dma_wait3A_377 = tpu.memref_slice %arg3[%dma_wait3A_375, %dma_wait3A_376] : memref<1000000x128xf32, #tpu.memory_space<hbm>> -> memref<128x128xf32, #tpu.memory_space<hbm>>
      tpu.wait_dma2 semaphore(%arg15 : memref<!tpu.dma_semaphore, #tpu.memory_space<semaphore_mem>>) src(%dma_wait3A_377 : memref<128x128xf32, #tpu.memory_space<hbm>>) dst(%arg10 : memref<128x128xf32, #tpu.memory_space<vmem>>)
      %add3A_378 = arith.constant 4 : i32
      %add3A_379 = arith.addi %mul3A_241, %add3A_378 : i32
      %mul3A_380 = arith.constant 128 : i32
      %mul3A_381 = arith.muli %add3A_379, %mul3A_380 : i32
      %add3A_382 = arith.addi %mul3A_2, %mul3A_381 : i32
      %dma_start3A_383 = arith.constant 0 : i32
      %dma_start3A_384 = tpu.memref_slice %arg4[%add3A_382, %dma_start3A_383] : memref<204800x128xf32, #tpu.memory_space<hbm>> -> memref<128x128xf32, #tpu.memory_space<hbm>>
      %dma_start3A_385 = arith.constant 0 : i32
      %dma_start3A_386 = tpu.memref_slice %arg4[%add3A_382, %dma_start3A_385] : memref<204800x128xf32, #tpu.memory_space<hbm>> -> memref<128x128xf32, #tpu.memory_space<hbm>>
      tpu.enqueue_dma source(%arg10 : memref<128x128xf32, #tpu.memory_space<vmem>>) target(%dma_start3A_386 : memref<128x128xf32, #tpu.memory_space<hbm>>) target_semaphore(%arg20 : memref<!tpu.dma_semaphore, #tpu.memory_space<semaphore_mem>>)
    }
    %scan3A_132 = arith.constant 8 : i32
    %dma_wait3A_133 = arith.constant 0 : i32
    %dma_wait3A_134 = tpu.memref_slice %arg4[%mul3A_2, %dma_wait3A_133] : memref<204800x128xf32, #tpu.memory_space<hbm>> -> memref<128x128xf32, #tpu.memory_space<hbm>>
    %dma_wait3A_135 = arith.constant 0 : i32
    %dma_wait3A_136 = tpu.memref_slice %arg4[%mul3A_2, %dma_wait3A_135] : memref<204800x128xf32, #tpu.memory_space<hbm>> -> memref<128x128xf32, #tpu.memory_space<hbm>>
    tpu.wait_dma2 semaphore(%arg19 : memref<!tpu.dma_semaphore, #tpu.memory_space<semaphore_mem>>) src(%dma_wait3A_136 : memref<128x128xf32, #tpu.memory_space<hbm>>) dst(%arg9 : memref<128x128xf32, #tpu.memory_space<vmem>>)
    %dma_start3A_137 = arith.constant 48 : i32
    %dma_start3A_138 = arith.constant 0 : i32
    %dma_start3A_139 = tpu.memref_slice %arg5[%dma_start3A_137, %dma_start3A_138] : memref<50x128xi32, #tpu.memory_space<vmem>> -> memref<1x128xi32, #tpu.memory_space<vmem>>
    %dma_start3A_140 = tpu.memref_squeeze %dma_start3A_139 : memref<1x128xi32, #tpu.memory_space<vmem>> -> memref<128xi32, #tpu.memory_space<vmem>>
    %dma_start3A_141 = arith.constant 0 : i32
    %dma_start3A_142 = arith.constant 0 : i32
    %dma_start3A_143 = tpu.memref_slice %arg3[%dma_start3A_141, %dma_start3A_142] : memref<1000000x128xf32, #tpu.memory_space<hbm>> -> memref<1000000x128xf32, #tpu.memory_space<hbm>>
    tpu.enqueue_indirect_dma source(%dma_start3A_143 : memref<1000000x128xf32, #tpu.memory_space<hbm>>) target(%arg9 : memref<128x128xf32, #tpu.memory_space<vmem>>) offsets(%dma_start3A_140 : memref<128xi32, #tpu.memory_space<vmem>>) semaphore(%arg14 : memref<!tpu.dma_semaphore, #tpu.memory_space<semaphore_mem>>)
    %dma_wait3A_144 = arith.constant 0 : i32
    %dma_wait3A_145 = arith.constant 0 : i32
    %dma_wait3A_146 = tpu.memref_slice %arg3[%dma_wait3A_144, %dma_wait3A_145] : memref<1000000x128xf32, #tpu.memory_space<hbm>> -> memref<128x128xf32, #tpu.memory_space<hbm>>
    %dma_wait3A_147 = arith.constant 0 : i32
    %dma_wait3A_148 = arith.constant 0 : i32
    %dma_wait3A_149 = tpu.memref_slice %arg3[%dma_wait3A_147, %dma_wait3A_148] : memref<1000000x128xf32, #tpu.memory_space<hbm>> -> memref<128x128xf32, #tpu.memory_space<hbm>>
    tpu.wait_dma2 semaphore(%arg11 : memref<!tpu.dma_semaphore, #tpu.memory_space<semaphore_mem>>) src(%dma_wait3A_149 : memref<128x128xf32, #tpu.memory_space<hbm>>) dst(%arg6 : memref<128x128xf32, #tpu.memory_space<vmem>>)
    %add3A_150 = arith.constant 5760 : i32
    %add3A_151 = arith.addi %mul3A_2, %add3A_150 : i32
    %dma_start3A_152 = arith.constant 0 : i32
    %dma_start3A_153 = tpu.memref_slice %arg4[%add3A_151, %dma_start3A_152] : memref<204800x128xf32, #tpu.memory_space<hbm>> -> memref<128x128xf32, #tpu.memory_space<hbm>>
    %dma_start3A_154 = arith.constant 0 : i32
    %dma_start3A_155 = tpu.memref_slice %arg4[%add3A_151, %dma_start3A_154] : memref<204800x128xf32, #tpu.memory_space<hbm>> -> memref<128x128xf32, #tpu.memory_space<hbm>>
    tpu.enqueue_dma source(%arg6 : memref<128x128xf32, #tpu.memory_space<vmem>>) target(%dma_start3A_155 : memref<128x128xf32, #tpu.memory_space<hbm>>) target_semaphore(%arg16 : memref<!tpu.dma_semaphore, #tpu.memory_space<semaphore_mem>>)
    %dma_wait3A_156 = arith.constant 0 : i32
    %dma_wait3A_157 = tpu.memref_slice %arg4[%mul3A_2, %dma_wait3A_156] : memref<204800x128xf32, #tpu.memory_space<hbm>> -> memref<128x128xf32, #tpu.memory_space<hbm>>
    %dma_wait3A_158 = arith.constant 0 : i32
    %dma_wait3A_159 = tpu.memref_slice %arg4[%mul3A_2, %dma_wait3A_158] : memref<204800x128xf32, #tpu.memory_space<hbm>> -> memref<128x128xf32, #tpu.memory_space<hbm>>
    tpu.wait_dma2 semaphore(%arg20 : memref<!tpu.dma_semaphore, #tpu.memory_space<semaphore_mem>>) src(%dma_wait3A_159 : memref<128x128xf32, #tpu.memory_space<hbm>>) dst(%arg10 : memref<128x128xf32, #tpu.memory_space<vmem>>)
    %dma_start3A_160 = arith.constant 49 : i32
    %dma_start3A_161 = arith.constant 0 : i32
    %dma_start3A_162 = tpu.memref_slice %arg5[%dma_start3A_160, %dma_start3A_161] : memref<50x128xi32, #tpu.memory_space<vmem>> -> memref<1x128xi32, #tpu.memory_space<vmem>>
    %dma_start3A_163 = tpu.memref_squeeze %dma_start3A_162 : memref<1x128xi32, #tpu.memory_space<vmem>> -> memref<128xi32, #tpu.memory_space<vmem>>
    %dma_start3A_164 = arith.constant 0 : i32
    %dma_start3A_165 = arith.constant 0 : i32
    %dma_start3A_166 = tpu.memref_slice %arg3[%dma_start3A_164, %dma_start3A_165] : memref<1000000x128xf32, #tpu.memory_space<hbm>> -> memref<1000000x128xf32, #tpu.memory_space<hbm>>
    tpu.enqueue_indirect_dma source(%dma_start3A_166 : memref<1000000x128xf32, #tpu.memory_space<hbm>>) target(%arg10 : memref<128x128xf32, #tpu.memory_space<vmem>>) offsets(%dma_start3A_163 : memref<128xi32, #tpu.memory_space<vmem>>) semaphore(%arg15 : memref<!tpu.dma_semaphore, #tpu.memory_space<semaphore_mem>>)
    %dma_wait3A_167 = arith.constant 0 : i32
    %dma_wait3A_168 = arith.constant 0 : i32
    %dma_wait3A_169 = tpu.memref_slice %arg3[%dma_wait3A_167, %dma_wait3A_168] : memref<1000000x128xf32, #tpu.memory_space<hbm>> -> memref<128x128xf32, #tpu.memory_space<hbm>>
    %dma_wait3A_170 = arith.constant 0 : i32
    %dma_wait3A_171 = arith.constant 0 : i32
    %dma_wait3A_172 = tpu.memref_slice %arg3[%dma_wait3A_170, %dma_wait3A_171] : memref<1000000x128xf32, #tpu.memory_space<hbm>> -> memref<128x128xf32, #tpu.memory_space<hbm>>
    tpu.wait_dma2 semaphore(%arg12 : memref<!tpu.dma_semaphore, #tpu.memory_space<semaphore_mem>>) src(%dma_wait3A_172 : memref<128x128xf32, #tpu.memory_space<hbm>>) dst(%arg7 : memref<128x128xf32, #tpu.memory_space<vmem>>)
    %add3A_173 = arith.constant 5888 : i32
    %add3A_174 = arith.addi %mul3A_2, %add3A_173 : i32
    %dma_start3A_175 = arith.constant 0 : i32
    %dma_start3A_176 = tpu.memref_slice %arg4[%add3A_174, %dma_start3A_175] : memref<204800x128xf32, #tpu.memory_space<hbm>> -> memref<128x128xf32, #tpu.memory_space<hbm>>
    %dma_start3A_177 = arith.constant 0 : i32
    %dma_start3A_178 = tpu.memref_slice %arg4[%add3A_174, %dma_start3A_177] : memref<204800x128xf32, #tpu.memory_space<hbm>> -> memref<128x128xf32, #tpu.memory_space<hbm>>
    tpu.enqueue_dma source(%arg7 : memref<128x128xf32, #tpu.memory_space<vmem>>) target(%dma_start3A_178 : memref<128x128xf32, #tpu.memory_space<hbm>>) target_semaphore(%arg17 : memref<!tpu.dma_semaphore, #tpu.memory_space<semaphore_mem>>)
    %dma_wait3A_179 = arith.constant 0 : i32
    %dma_wait3A_180 = arith.constant 0 : i32
    %dma_wait3A_181 = tpu.memref_slice %arg3[%dma_wait3A_179, %dma_wait3A_180] : memref<1000000x128xf32, #tpu.memory_space<hbm>> -> memref<128x128xf32, #tpu.memory_space<hbm>>
    %dma_wait3A_182 = arith.constant 0 : i32
    %dma_wait3A_183 = arith.constant 0 : i32
    %dma_wait3A_184 = tpu.memref_slice %arg3[%dma_wait3A_182, %dma_wait3A_183] : memref<1000000x128xf32, #tpu.memory_space<hbm>> -> memref<128x128xf32, #tpu.memory_space<hbm>>
    tpu.wait_dma2 semaphore(%arg13 : memref<!tpu.dma_semaphore, #tpu.memory_space<semaphore_mem>>) src(%dma_wait3A_184 : memref<128x128xf32, #tpu.memory_space<hbm>>) dst(%arg8 : memref<128x128xf32, #tpu.memory_space<vmem>>)
    %add3A_185 = arith.constant 6016 : i32
    %add3A_186 = arith.addi %mul3A_2, %add3A_185 : i32
    %dma_start3A_187 = arith.constant 0 : i32
    %dma_start3A_188 = tpu.memref_slice %arg4[%add3A_186, %dma_start3A_187] : memref<204800x128xf32, #tpu.memory_space<hbm>> -> memref<128x128xf32, #tpu.memory_space<hbm>>
    %dma_start3A_189 = arith.constant 0 : i32
    %dma_start3A_190 = tpu.memref_slice %arg4[%add3A_186, %dma_start3A_189] : memref<204800x128xf32, #tpu.memory_space<hbm>> -> memref<128x128xf32, #tpu.memory_space<hbm>>
    tpu.enqueue_dma source(%arg8 : memref<128x128xf32, #tpu.memory_space<vmem>>) target(%dma_start3A_190 : memref<128x128xf32, #tpu.memory_space<hbm>>) target_semaphore(%arg18 : memref<!tpu.dma_semaphore, #tpu.memory_space<semaphore_mem>>)
    %dma_wait3A_191 = arith.constant 0 : i32
    %dma_wait3A_192 = arith.constant 0 : i32
    %dma_wait3A_193 = tpu.memref_slice %arg3[%dma_wait3A_191, %dma_wait3A_192] : memref<1000000x128xf32, #tpu.memory_space<hbm>> -> memref<128x128xf32, #tpu.memory_space<hbm>>
    %dma_wait3A_194 = arith.constant 0 : i32
    %dma_wait3A_195 = arith.constant 0 : i32
    %dma_wait3A_196 = tpu.memref_slice %arg3[%dma_wait3A_194, %dma_wait3A_195] : memref<1000000x128xf32, #tpu.memory_space<hbm>> -> memref<128x128xf32, #tpu.memory_space<hbm>>
    tpu.wait_dma2 semaphore(%arg14 : memref<!tpu.dma_semaphore, #tpu.memory_space<semaphore_mem>>) src(%dma_wait3A_196 : memref<128x128xf32, #tpu.memory_space<hbm>>) dst(%arg9 : memref<128x128xf32, #tpu.memory_space<vmem>>)
    %add3A_197 = arith.constant 6144 : i32
    %add3A_198 = arith.addi %mul3A_2, %add3A_197 : i32
    %dma_start3A_199 = arith.constant 0 : i32
    %dma_start3A_200 = tpu.memref_slice %arg4[%add3A_198, %dma_start3A_199] : memref<204800x128xf32, #tpu.memory_space<hbm>> -> memref<128x128xf32, #tpu.memory_space<hbm>>
    %dma_start3A_201 = arith.constant 0 : i32
    %dma_start3A_202 = tpu.memref_slice %arg4[%add3A_198, %dma_start3A_201] : memref<204800x128xf32, #tpu.memory_space<hbm>> -> memref<128x128xf32, #tpu.memory_space<hbm>>
    tpu.enqueue_dma source(%arg9 : memref<128x128xf32, #tpu.memory_space<vmem>>) target(%dma_start3A_202 : memref<128x128xf32, #tpu.memory_space<hbm>>) target_semaphore(%arg19 : memref<!tpu.dma_semaphore, #tpu.memory_space<semaphore_mem>>)
    %dma_wait3A_203 = arith.constant 0 : i32
    %dma_wait3A_204 = arith.constant 0 : i32
    %dma_wait3A_205 = tpu.memref_slice %arg3[%dma_wait3A_203, %dma_wait3A_204] : memref<1000000x128xf32, #tpu.memory_space<hbm>> -> memref<128x128xf32, #tpu.memory_space<hbm>>
    %dma_wait3A_206 = arith.constant 0 : i32
    %dma_wait3A_207 = arith.constant 0 : i32
    %dma_wait3A_208 = tpu.memref_slice %arg3[%dma_wait3A_206, %dma_wait3A_207] : memref<1000000x128xf32, #tpu.memory_space<hbm>> -> memref<128x128xf32, #tpu.memory_space<hbm>>
    tpu.wait_dma2 semaphore(%arg15 : memref<!tpu.dma_semaphore, #tpu.memory_space<semaphore_mem>>) src(%dma_wait3A_208 : memref<128x128xf32, #tpu.memory_space<hbm>>) dst(%arg10 : memref<128x128xf32, #tpu.memory_space<vmem>>)
    %add3A_209 = arith.constant 6272 : i32
    %add3A_210 = arith.addi %mul3A_2, %add3A_209 : i32
    %dma_start3A_211 = arith.constant 0 : i32
    %dma_start3A_212 = tpu.memref_slice %arg4[%add3A_210, %dma_start3A_211] : memref<204800x128xf32, #tpu.memory_space<hbm>> -> memref<128x128xf32, #tpu.memory_space<hbm>>
    %dma_start3A_213 = arith.constant 0 : i32
    %dma_start3A_214 = tpu.memref_slice %arg4[%add3A_210, %dma_start3A_213] : memref<204800x128xf32, #tpu.memory_space<hbm>> -> memref<128x128xf32, #tpu.memory_space<hbm>>
    tpu.enqueue_dma source(%arg10 : memref<128x128xf32, #tpu.memory_space<vmem>>) target(%dma_start3A_214 : memref<128x128xf32, #tpu.memory_space<hbm>>) target_semaphore(%arg20 : memref<!tpu.dma_semaphore, #tpu.memory_space<semaphore_mem>>)
    %dma_wait3A_215 = arith.constant 0 : i32
    %dma_wait3A_216 = tpu.memref_slice %arg4[%mul3A_2, %dma_wait3A_215] : memref<204800x128xf32, #tpu.memory_space<hbm>> -> memref<128x128xf32, #tpu.memory_space<hbm>>
    %dma_wait3A_217 = arith.constant 0 : i32
    %dma_wait3A_218 = tpu.memref_slice %arg4[%mul3A_2, %dma_wait3A_217] : memref<204800x128xf32, #tpu.memory_space<hbm>> -> memref<128x128xf32, #tpu.memory_space<hbm>>
    tpu.wait_dma2 semaphore(%arg16 : memref<!tpu.dma_semaphore, #tpu.memory_space<semaphore_mem>>) src(%dma_wait3A_218 : memref<128x128xf32, #tpu.memory_space<hbm>>) dst(%arg6 : memref<128x128xf32, #tpu.memory_space<vmem>>)
    %dma_wait3A_219 = arith.constant 0 : i32
    %dma_wait3A_220 = tpu.memref_slice %arg4[%mul3A_2, %dma_wait3A_219] : memref<204800x128xf32, #tpu.memory_space<hbm>> -> memref<128x128xf32, #tpu.memory_space<hbm>>
    %dma_wait3A_221 = arith.constant 0 : i32
    %dma_wait3A_222 = tpu.memref_slice %arg4[%mul3A_2, %dma_wait3A_221] : memref<204800x128xf32, #tpu.memory_space<hbm>> -> memref<128x128xf32, #tpu.memory_space<hbm>>
    tpu.wait_dma2 semaphore(%arg17 : memref<!tpu.dma_semaphore, #tpu.memory_space<semaphore_mem>>) src(%dma_wait3A_222 : memref<128x128xf32, #tpu.memory_space<hbm>>) dst(%arg7 : memref<128x128xf32, #tpu.memory_space<vmem>>)
    %dma_wait3A_223 = arith.constant 0 : i32
    %dma_wait3A_224 = tpu.memref_slice %arg4[%mul3A_2, %dma_wait3A_223] : memref<204800x128xf32, #tpu.memory_space<hbm>> -> memref<128x128xf32, #tpu.memory_space<hbm>>
    %dma_wait3A_225 = arith.constant 0 : i32
    %dma_wait3A_226 = tpu.memref_slice %arg4[%mul3A_2, %dma_wait3A_225] : memref<204800x128xf32, #tpu.memory_space<hbm>> -> memref<128x128xf32, #tpu.memory_space<hbm>>
    tpu.wait_dma2 semaphore(%arg18 : memref<!tpu.dma_semaphore, #tpu.memory_space<semaphore_mem>>) src(%dma_wait3A_226 : memref<128x128xf32, #tpu.memory_space<hbm>>) dst(%arg8 : memref<128x128xf32, #tpu.memory_space<vmem>>)
    %dma_wait3A_227 = arith.constant 0 : i32
    %dma_wait3A_228 = tpu.memref_slice %arg4[%mul3A_2, %dma_wait3A_227] : memref<204800x128xf32, #tpu.memory_space<hbm>> -> memref<128x128xf32, #tpu.memory_space<hbm>>
    %dma_wait3A_229 = arith.constant 0 : i32
    %dma_wait3A_230 = tpu.memref_slice %arg4[%mul3A_2, %dma_wait3A_229] : memref<204800x128xf32, #tpu.memory_space<hbm>> -> memref<128x128xf32, #tpu.memory_space<hbm>>
    tpu.wait_dma2 semaphore(%arg19 : memref<!tpu.dma_semaphore, #tpu.memory_space<semaphore_mem>>) src(%dma_wait3A_230 : memref<128x128xf32, #tpu.memory_space<hbm>>) dst(%arg9 : memref<128x128xf32, #tpu.memory_space<vmem>>)
    %dma_wait3A_231 = arith.constant 0 : i32
    %dma_wait3A_232 = tpu.memref_slice %arg4[%mul3A_2, %dma_wait3A_231] : memref<204800x128xf32, #tpu.memory_space<hbm>> -> memref<128x128xf32, #tpu.memory_space<hbm>>
    %dma_wait3A_233 = arith.constant 0 : i32
    %dma_wait3A_234 = tpu.memref_slice %arg4[%mul3A_2, %dma_wait3A_233] : memref<204800x128xf32, #tpu.memory_space<hbm>> -> memref<128x128xf32, #tpu.memory_space<hbm>>
    tpu.wait_dma2 semaphore(%arg20 : memref<!tpu.dma_semaphore, #tpu.memory_space<semaphore_mem>>) src(%dma_wait3A_234 : memref<128x128xf32, #tpu.memory_space<hbm>>) dst(%arg10 : memref<128x128xf32, #tpu.memory_space<vmem>>)
    return
  }
}

</mosaic_0001>

<sc_bundles>
// kernel: _emb_lookup.3.cloned.1.call-start
scs
__scs_entry_jumppad:
0x0: {  	(pc) =	sbr.rel $0x88, $3  }
0x1: {  	(tag) =	ssettag $0x0;
	lr =	simm.s32 $0x1  }
0x2: {  	[smem:$0x3F9F] =	sst lr;
	_ =	strace $0xD0000000  }
0x3: {  	_ = 	snop  }
0x4: {  	_ = 	snop  }
0x5: {  	_ = 	snop  }
0x6: {  	_ = 	snop  }
0x7: {  	_ = 	snop  }
__scs_overlays_trampoline_lowered:
0x8: {  	[smem:$0x3FAE] =	sst s0  }
0x9: {  	[smem:$0x3FAF] =	sst s1  }
0xa: {  	[smem:$0x3FB0] =	sst s2  }
0xb: {  	[smem:$0x3FB1] =	sst s3  }
0xc: {  	[smem:$0x3FB2] =	sst s4  }
0xd: {  	[smem:$0x3FB3] =	sst s5  }
0xe: {  	[smem:$0x3FB4] =	sst s6  }
0xf: {  	[smem:$0x3FB5] =	sst s7  }
0x10: {  	[smem:$0x3FB6] =	sst s8  }
0x11: {  	[smem:$0x3FB7] =	sst s9;
	s0 =	simm.s32 @!p0 $0x0  }
0x12: {  	s1 =	sld [smem:$0x3F9D];
	s0 =	simm.s32 @p0 $0x1  }
0x13: {  	[smem:$0x3FB8] =	sst s0;
	s0 =	simm.s32 @!p1 $0x0  }
0x14: {  	s2 =	sld [smem:$0x3F9C];
	s0 =	simm.s32 @p1 $0x1  }
0x15: {  	[smem:$0x3FB9] =	sst s0;
	s0 =	simm.s32 @!p2 $0x0  }
0x16: {  	s3 =	sld [smem:$0x3FDB];
	s0 =	simm.s32 @p2 $0x1  }
0x17: {  	s4 =	simm.s32 $0x1BF5;
	[smem:$0x3FBB] =	sst s0  }
0x18: {  	s0 =	sld [smem:$0x3F9E];
	_ =	swait.ge [sflag:s4], $0x0  }
0x19: {  	s7 =	sld [smem:$0x3F9F]  }
0x1a: {  	s8 =	sadd.s32 $0xFFFFE003, lr  }
0x1b: {  	s9 =	sadd.s32 $0xFFFFFEF7, lr;
	s5 =	simm.s32 $0xFFFFFFFF;
	p2 =	slt.u32 s8, $0xFFFFF086  }
0x1c: {  	p1 =	slt.u32 s9, $0xF7A;
	s5 =	simm.s32 @!p2 $0x0  }
0x1d: {  	s5 =	simm.s32 @p1 $0x1;
	p0 =	seq.s32 s7, s2  }
0x1e: {  	s7 =	smul.u32 @!p0 $0xF7A, s2;
	p2 =	seq.s32 @!p0 s5, $0x0  }
0x1f: {  	s9 =	smul.u32 $0xF7A, s1;
	s8 =	simm.s32 @!p0 $0x1BF5;
	p2 =	por !p2, p0  }
0x20: {  	[sflag:s8] =	ssyncset.s32 @!p0 $0xFFFFF086;
	s6 =	sadd.s32 @!p0 s3, s7;
	s7 =	simm.s32 @!p0 $0x108  }
0x21: {  	s3 =	sadd.s32 s3, s9;
	s6 =	sadd.s32 @!p0 $0x88, s6;
	s7 =	simm.s32 @p2 $0x1082  }
0x22: {  	[simem:s7], [sflag:s8] =	dma.local @!p0 [hbm:s6], $0xF7A  }
0x23: {  	s9 =	sor.u32 $0xD0000000, s2;
	s6 =	simm.s32 $0x108;
	_ =	swait.ge @!p0 [sflag:s8], $0x0  }
0x24: {  	s3 =	sadd.s32 $0x88, s3;
	s6 =	simm.s32 @!p1 $0x1082;
	[sflag:s4] =	ssyncset.s32 $0xFFFFF086  }
0x25: {  	[simem:s6], [sflag:s4] =	dma.local [hbm:s3], $0xF7A  }
0x26: {  	[smem:$0x3F9F] =	sst s1;
	(tag) =	ssettag s2;
	_ =	strace s9  }
0x27: {  	s1 =	sld [smem:$0x3FAF]  }
0x28: {  	s2 =	sld [smem:$0x3FB0]  }
0x29: {  	s4 =	sld [smem:$0x3FB2]  }
0x2a: {  	p0 =	seq.s32 s5, $0x0;
	s5 =	sld [smem:$0x3FB3]  }
0x2b: {  	s6 =	sld [smem:$0x3FB4]  }
0x2c: {  	s7 =	sld [smem:$0x3FB5]  }
0x2d: {  	s3 =	simm.s32 $0x108;
	s8 =	sld [smem:$0x3FB6]  }
0x2e: {  	s3 =	simm.s32 @!p0 $0x1082;
	s9 =	sld [smem:$0x3FB7]  }
0x2f: {  	lr =	sadd.s32 s0, s3;
	s0 =	sld [smem:$0x3FAE]  }
0x30: {  	s3 =	sld [smem:$0x3FB1]  }
0x31: {  	[smem:$0x3FBA] =	sst s10  }
0x32: {  	s10 =	sld [smem:$0x3FB8];
	_ =	sdelay $0x3  }
0x33: {  	p0 =	seq.s32 s10, $0x1;
	s10 =	sld [smem:$0x3FBA];
	_ =	sdelay $0x3  }
0x34: {  	[smem:$0x3FBA] =	sst s10  }
0x35: {  	s10 =	sld [smem:$0x3FB9];
	_ =	sdelay $0x3  }
0x36: {  	p1 =	seq.s32 s10, $0x1;
	s10 =	sld [smem:$0x3FBA];
	_ =	sdelay $0x3  }
0x37: {  	[smem:$0x3FBA] =	sst s10  }
0x38: {  	s10 =	sld [smem:$0x3FBB]  }
0x39: {  	_ = 	snop;
	(pc) =	sbr.ind lr, $3  }
0x3a: {  	_ = 	snop  }
0x3b: {  	_ = 	snop  }
0x3c: {  	p2 =	seq.s32 s10, $0x1;
	s10 =	sld [smem:$0x3FBA]  }
0x3d: {  	_ =	shalt  }
0x3e: {  	_ =	shalt  }
0x3f: {  	_ =	shalt  }
0x40: {  	_ =	shalt  }
0x41: {  	_ =	shalt  }
0x42: {  	_ =	shalt  }
0x43: {  	_ =	shalt  }
0x44: {  	_ =	shalt  }
0x45: {  	_ =	shalt  }
0x46: {  	_ =	shalt  }
0x47: {  	_ =	shalt  }
0x48: {  	_ =	shalt  }
0x49: {  	_ =	shalt  }
0x4a: {  	_ =	shalt  }
0x4b: {  	_ =	shalt  }
0x4c: {  	_ =	shalt  }
0x4d: {  	_ =	shalt  }
0x4e: {  	_ =	shalt  }
0x4f: {  	_ =	shalt  }
0x50: {  	_ =	shalt  }
0x51: {  	_ =	shalt  }
0x52: {  	_ =	shalt  }
0x53: {  	_ =	shalt  }
0x54: {  	_ =	shalt  }
0x55: {  	_ =	shalt  }
0x56: {  	_ =	shalt  }
0x57: {  	_ =	shalt  }
0x58: {  	_ =	shalt  }
0x59: {  	_ =	shalt  }
0x5a: {  	_ =	shalt  }
0x5b: {  	_ =	shalt  }
0x5c: {  	_ =	shalt  }
0x5d: {  	_ =	shalt  }
0x5e: {  	_ =	shalt  }
0x5f: {  	_ =	shalt  }
0x60: {  	_ =	shalt  }
0x61: {  	_ =	shalt  }
0x62: {  	_ =	shalt  }
0x63: {  	_ =	shalt  }
0x64: {  	_ =	shalt  }
0x65: {  	_ =	shalt  }
0x66: {  	_ =	shalt  }
0x67: {  	_ =	shalt  }
0x68: {  	_ =	shalt  }
0x69: {  	_ =	shalt  }
0x6a: {  	_ =	shalt  }
0x6b: {  	_ =	shalt  }
0x6c: {  	_ =	shalt  }
0x6d: {  	_ =	shalt  }
0x6e: {  	_ =	shalt  }
0x6f: {  	_ =	shalt  }
0x70: {  	_ =	shalt  }
0x71: {  	_ =	shalt  }
0x72: {  	_ =	shalt  }
0x73: {  	_ =	shalt  }
0x74: {  	_ =	shalt  }
0x75: {  	_ =	shalt  }
0x76: {  	_ =	shalt  }
0x77: {  	_ =	shalt  }
0x78: {  	_ =	shalt  }
0x79: {  	_ =	shalt  }
0x7a: {  	_ =	shalt  }
0x7b: {  	_ =	shalt  }
0x7c: {  	_ =	shalt  }
0x7d: {  	_ =	shalt  }
0x7e: {  	_ =	shalt  }
0x7f: {  	_ =	shalt  }
0x80: {  	_ =	shalt  }
0x81: {  	_ =	shalt  }
0x82: {  	_ =	shalt  }
0x83: {  	_ =	shalt  }
0x84: {  	_ =	shalt  }
0x85: {  	_ =	shalt  }
0x86: {  	_ =	shalt  }
0x87: {  	_ =	shalt  }
.Lfunc_end0:
.L_simem_size_0:
called_computation_lowered:
.L_overlay_start_0:
0x88: {  	s2 =	sld [smem:$0x3FD9]  }
0x89: {  	s3 =	sld [smem:$0x3FFE];
	_ =	sdelay $0x1  }
0x8a: {  	s1 =	srdreg.scid  }
0x8b: {  	s0 =	sand.u32 $0x1, s1  }
0x8c: {  	s17 =	sshll.u32 s0, $0xA;
	s2 =	sadd.s32 s3, s2  }
0x8d: {  	s2 =	sadd.s32 s2, s17  }
0x8e: {  	[smem:$0x3FC6] =	sst s2  }
0x8f: {  	_ = 	snop  }
0x90: {  	s2 =	sld [smem:$0x3FC8]  }
0x91: {  	s18 =	sld [smem:$0x3FD0];
	(tm) =	ssettm $0x1  }
0x92: {  	s4 =	sld [smem:$0x3FFB];
	_ =	sdelay $0x3  }
0x93: {  	_ =	strace s4  }
0x94: {  	s4 =	sld [smem:$0x3FFC];
	_ =	sdelay $0x3  }
0x95: {  	_ =	strace s4  }
0x96: {  	s4 =	sld [smem:$0x3FFD];
	_ =	sdelay $0x3  }
0x97: {  	_ =	strace s4  }
0x98: {  	_ =	strace $0x8FFFFFFF  }
0x99: {  	s19 =	sld [smem:$0x3FDB];
	_ =	sdelay $0x1  }
0x9a: {  	s5 =	simm.s32 $_scs_section_size  }
0x9b: {  	s6 =	simm.s32 $_size__tile_overlayer_lowered;
	s7 =	simm.s32 $_tile_overlayer_lowered  }
0x9c: {  	s22 =	simm.s32 $0x1BFF;
	s21 =	sshll.u32 s7, $0x1;
	s4 =	sadd.s32 s5, s19  }
0x9d: {  	s8 =	simm.s32 $0x0;
	s20 =	sshll.u32 s6, $0x1;
	s6 =	sadd.s32 s21, s4  }
0x9e: {  	[timem:s8], [sflag:s22] =	dma.local [hbm:s6], s20  }
0x9f: {  	_ =	swait.ge [sflag:s22], s20  }
0xa0: {  	s5 =	ssub.s32 $0x0, s20;
	[sflag:s22] =	ssyncset.done $0x0  }
0xa1: {  	[sflag:s22] =	ssyncadd.s32 s5;
	_ =	sdelay $0x1  }
0xa2: {  	s23 =	simm.s32 $0x1B8B  }
0xa3: {  	_ =	swait.ge [sflag:s23], $0x1  }
0xa4: {  	[sflag:s23] =	ssyncset.done $0x0  }
0xa5: {  	s25 =	simm.s32 $0x1B8E;
	s24 =	sld [smem:$0x3FFE];
	[sflag:s23] =	ssyncadd.s32 $0xFFFFFFFF  }
0xa6: {  	s26 =	simm.s32 $execute0_lowered;
	[smem:$0x3FD2] =	sst s25  }
0xa7: {  	s6 =	sshll.u32 s26, $0x1;
	_ =	strace $0x80000046;
	[dreg:$0x1] =	wrdreg $0xFFFFFFFF  }
0xa8: {  	s28 =	simm.s32 $_size_execute0_lowered;
	s4 =	sadd.s32 s4, s6;
	[dreg:$0x0] =	wrdreg $0x0  }
0xa9: {  	s6 =	sshll.u32 s28, $0x1;
	[dreg:$0x2] =	wrdreg s4  }
0xaa: {  	[dreg:$0x3] =	wrdreg s6  }
0xab: {  	[dreg:$0x4] =	wrdreg $0xC0  }
0xac: {  	_ =	task [dreg:s8], $0x5FFFF  }
0xad: {  	[dreg:$0x1] =	wrdreg $0xFFFFFFFF  }
0xae: {  	[dreg:$0x0] =	wrdreg $0x60  }
0xaf: {  	[dreg:$0x2] =	wrdreg s24  }
0xb0: {  	[dreg:$0x3] =	wrdreg s2  }
0xb1: {  	[dreg:$0x4] =	wrdreg s18  }
0xb2: {  	[dreg:$0x5] =	wrdreg $0x9  }
0xb3: {  	_ =	task.clear_ibuf [dreg:s8], $0x6FFFF;
	_ =	strace $0x90000046  }
0xb4: {  	s29 =	simm.s32 $0x9;
	_ =	strace $0x80000048  }
0xb5: {  	_ =	swait.ge [sflag:s29], $0x1  }
0xb6: {  	[sflag:s29] =	ssyncadd.s32 $0xFFFFFFFF  }
0xb7: {  	_ =	strace $0x90000048  }
0xb8: {  	_ =	sfence  }
0xb9: {  	s30 =	sld [smem:$0x0];
	_ =	sdelay $0x2  }
0xba: {  	s31 =	sshll.u32 s1, $0xD;
	s1 =	sshrl.u32 s1, $0x2  }
0xbb: {  	s3 =	sand.u32 $0x4000, s31;
	s1 =	sadd.s32 s1, s30  }
0xbc: {  	s0 =	sor.u32 s3, s0;
	s1 =	sshll.u32 s1, $0x11  }
0xbd: {  	s0 =	sor.u32 s1, s0  }
0xbe: {  	s0 =	sadd.s32 $0x8F2B, s0  }
0xbf: {  	[sflag:s0] =	ssyncadd.remote.s32 $0x1  }
0xc0: {  	_ =	sfence.sel $0xFFFF  }
0xc1: {  	[dreg:$0x0] =	wrdreg $0xFFFFFFFF;
	(pc) =	sbr.abs _section_cstart, $3  }
0xc2: {  	[dreg:$0x1] =	wrdreg $0xFFFFFFFF  }
0xc3: {  	_ =	task.clear_ibuf [dreg:s8], $0x2FFFF;
	_ =	strace $0x9FFFFFFF  }
0xc4: {  	(tm) =	ssettm $0x7FFFFFFF  }
0xc5: {  	_ =	shalt  }
tec
execute0_lowered:
.L_overlay_start_1:
0x0: {  	(tag) =	ssettag $0x1  }
0x1: {  	s0 =	rddreg [dreg:$0x0]  }
0x2: {  	s1 =	srdreg.scid;
	s2 =	rddreg [dreg:$0x1]  }
0x3: {  	s9 =	stileid.u32;
	s5 =	rddreg [dreg:$0x2]  }
0x4: {  	s17 =	simm.s32 $0xB;
	s18 =	simm.s32 $0x80;
	s28 =	simm.s32 $0x11C00  }
0x5: {  	s1 =	sand.u32 $0x1, s1;
	s3 =	sshll.u32 s9, $0x1;
	s24 =	smul.u32 $0x32000, s9  }
0x6: {  	s4 =	sor.u32 s1, s3;
	s8 =	ssub.s32 $0x2, s1;
	s1 =	smul.u32 $0x19000, s1  }
0x7: {  	s29 =	simm.s32 $0x2;
	s30 =	simm.s32 $0x6;
	s6 =	smul.u32 $0x380, s4  }
0x8: {  	s31 =	simm.s32 $0x9;
	s3 =	simm.s32 $0x0;
	s7 =	smul.u32 $0xC8000, s4  }
0x9: {  	[smem:$0x7FF] =	sst s3;
	s4 =	smul.u32 $0x19000, s4;
	s19 =	sshrl.u32 s8, $0x1  }
0xa: {  	_ =	strace $0x80000047;
	s0 =	sadd.s32 s6, s0;
	s7 =	sshrl.u32 s7, $0x3  }
0xb: {  	s6 =	ssub.s32 s8, s19;
	s4 =	sadd.s32 s5, s4;
	s19 =	simm.s32 $0x1C00  }
0xc: {  	s7 =	sadd.s32 s5, s7;
	s0 =	sadd.s32 $0x400, s0;
	s20 =	sadd.s32 $0x800, s4  }
0xd: {  	s15 =	smax.u32 s6, $0x1;
	s6 =	simm.s32 $0x0;
	[dreg:$0x4] =	wrdreg s0  }
0xe: {  	[dreg:$0x5] =	wrdreg s20;
	s21 =	sadd.s32 $0x1000, s7;
	s22 =	sadd.s32 $0x1800, s7  }
0xf: {  	s23 =	sadd.s32 $0x2000, s7;
	s25 =	sadd.s32 $0x16800, s7;
	[dreg:$0x6] =	wrdreg s21  }
0x10: {  	s26 =	sadd.s32 $0x17000, s7;
	s12 =	sadd.s32 $0x17800, s7;
	[dreg:$0x7] =	wrdreg s22  }
0x11: {  	s13 =	sadd.s32 $0x18000, s7;
	s0 =	sadd.s32 s24, s5;
	[dreg:$0x8] =	wrdreg s23  }
0x12: {  	s14 =	sadd.s32 $0x18800, s7;
	s20 =	simm.s32 $0x5C00;
	[dreg:$0x9] =	wrdreg s25  }
0x13: {  	s24 =	simm.s32 $0xDC00;
	s5 =	simm.s32 $0xA;
	[dreg:$0xa] =	wrdreg s26  }
0x14: {  	s0 =	sadd.s32 s1, s0;
	s22 =	simm.s32 $0x9C00;
	s25 =	simm.s32 $0x1  }
0x15: {  	s1 =	simm.s32 $0x3;
	s23 =	simm.s32 $0x4;
	s26 =	simm.s32 $0x8  }
0x16: {  	s21 =	simm.s32 $0x5;
	s9 =	sadd.s32 $0x4800, s0;
	s0 =	simm.s32 $0x7  }
.LBB2_1:
0x17: {  	s7 =	rddreg [dreg:$0x4]  }
0x18: {  	[tilespmem:s3], [sflag:$0xB] =	stream.linear.gather [hbm4b:s7+s3], $0x1900, $0x38;
	[tilespmem:$0x15C00] =	vst v63  }
0x19: {  	_ =	swait.ge [sflag:s17], $0x1900  }
0x1a: {  	[sflag:s17] =	ssyncset.done $0x0  }
0x1b: {  	[sflag:s17] =	ssyncadd.s32 $0xFFFFE700  }
0x1c: {  	[tilespmem:s19], [sflag:$0x1] =	stream.indirect.gather [hbm4b:s2+s18], $0x80, s3, s18, $0xb8;
	[tilespmem:$0x15C00] =	vst v63  }
0x1d: {  	_ = 	snop  }
0x1e: {  	[tilespmem:s20], [sflag:$0x2] =	stream.indirect.gather [hbm4b:s2+s18], $0x80, s18, s18, $0xb8;
	[tilespmem:$0x15C00] =	vst v63  }
0x1f: {  	s10 =	simm.s32 $0x100  }
0x20: {  	[tilespmem:s22], [sflag:$0x3] =	stream.indirect.gather [hbm4b:s2+s18], $0x80, s10, s18, $0xb8;
	[tilespmem:$0x15C00] =	vst v63  }
0x21: {  	s11 =	simm.s32 $0x180  }
0x22: {  	[tilespmem:s24], [sflag:$0x4] =	stream.indirect.gather [hbm4b:s2+s18], $0x80, s11, s18, $0xb8;
	[tilespmem:$0x15C00] =	vst v63  }
0x23: {  	_ =	swait.ge [sflag:s25], $0x4000  }
0x24: {  	[sflag:s25] =	ssyncset.done $0x0  }
0x25: {  	[sflag:s25] =	ssyncadd.s32 $0xFFFFC000  }
0x26: {  	[hbm4b:s4+s3] =	stream.linear.scatter [tilespmem:s19], [sflag:$0x6], $0x4000, $0x38;
	[tilespmem:$0x15C00] =	vst v63  }
0x27: {  	s16 =	simm.s32 $0x200  }
0x28: {  	[tilespmem:s28], [sflag:$0x5] =	stream.indirect.gather [hbm4b:s2+s18], $0x80, s16, s18, $0xb8;
	[tilespmem:$0x15C00] =	vst v63  }
0x29: {  	_ =	swait.ge [sflag:s29], $0x4000  }
0x2a: {  	[sflag:s29] =	ssyncset.done $0x0  }
0x2b: {  	s8 =	rddreg [dreg:$0x5];
	[sflag:s29] =	ssyncadd.s32 $0xFFFFC000  }
0x2c: {  	[hbm4b:s8+s3] =	stream.linear.scatter [tilespmem:s20], [sflag:$0x7], $0x4000, $0x38;
	[tilespmem:$0x15C00] =	vst v63  }
0x2d: {  	_ =	swait.ge [sflag:s30], $0x4000  }
0x2e: {  	[sflag:s30] =	ssyncset.done $0x0  }
0x2f: {  	s10 =	simm.s32 $0x280;
	[sflag:s30] =	ssyncadd.s32 $0xFFFFC000  }
0x30: {  	[tilespmem:s19], [sflag:$0x1] =	stream.indirect.gather [hbm4b:s2+s18], $0x80, s10, s18, $0xb8;
	[tilespmem:$0x15C00] =	vst v63  }
0x31: {  	_ =	swait.ge [sflag:s1], $0x4000  }
0x32: {  	[sflag:s1] =	ssyncset.done $0x0  }
0x33: {  	s11 =	rddreg [dreg:$0x6];
	[sflag:s1] =	ssyncadd.s32 $0xFFFFC000  }
0x34: {  	[hbm4b:s11+s3] =	stream.linear.scatter [tilespmem:s22], [sflag:$0x8], $0x4000, $0x38;
	[tilespmem:$0x15C00] =	vst v63  }
0x35: {  	_ =	swait.ge [sflag:s0], $0x4000  }
0x36: {  	[sflag:s0] =	ssyncset.done $0x0  }
0x37: {  	s16 =	simm.s32 $0x300;
	[sflag:s0] =	ssyncadd.s32 $0xFFFFC000  }
0x38: {  	[tilespmem:s20], [sflag:$0x2] =	stream.indirect.gather [hbm4b:s2+s18], $0x80, s16, s18, $0xb8;
	[tilespmem:$0x15C00] =	vst v63  }
0x39: {  	_ =	swait.ge [sflag:s23], $0x4000  }
0x3a: {  	[sflag:s23] =	ssyncset.done $0x0  }
0x3b: {  	s8 =	rddreg [dreg:$0x7];
	[sflag:s23] =	ssyncadd.s32 $0xFFFFC000  }
0x3c: {  	[hbm4b:s8+s3] =	stream.linear.scatter [tilespmem:s24], [sflag:$0x9], $0x4000, $0x38;
	[tilespmem:$0x15C00] =	vst v63  }
0x3d: {  	_ =	swait.ge [sflag:s26], $0x4000  }
0x3e: {  	[sflag:s26] =	ssyncset.done $0x0  }
0x3f: {  	s10 =	simm.s32 $0x380;
	[sflag:s26] =	ssyncadd.s32 $0xFFFFC000  }
0x40: {  	[tilespmem:s22], [sflag:$0x3] =	stream.indirect.gather [hbm4b:s2+s18], $0x80, s10, s18, $0xb8;
	[tilespmem:$0x15C00] =	vst v63  }
0x41: {  	_ =	swait.ge [sflag:s21], $0x4000  }
0x42: {  	[sflag:s21] =	ssyncset.done $0x0  }
0x43: {  	s11 =	rddreg [dreg:$0x8];
	[sflag:s21] =	ssyncadd.s32 $0xFFFFC000  }
0x44: {  	[hbm4b:s11+s3] =	stream.linear.scatter [tilespmem:s28], [sflag:$0xA], $0x4000, $0x38;
	[tilespmem:$0x15C00] =	vst v63  }
0x45: {  	_ =	swait.ge [sflag:s31], $0x4000  }
0x46: {  	[sflag:s31] =	ssyncset.done $0x0  }
0x47: {  	s16 =	simm.s32 $0x400;
	[sflag:s31] =	ssyncadd.s32 $0xFFFFC000  }
0x48: {  	[tilespmem:s24], [sflag:$0x4] =	stream.indirect.gather [hbm4b:s2+s18], $0x80, s16, s18, $0xb8;
	[tilespmem:$0x15C00] =	vst v63  }
0x49: {  	_ =	swait.ge [sflag:s25], $0x4000  }
0x4a: {  	[sflag:s25] =	ssyncset.done $0x0  }
0x4b: {  	s8 =	sadd.s32 $0xFFFFE000, s9;
	[sflag:s25] =	ssyncadd.s32 $0xFFFFC000  }
0x4c: {  	[hbm4b:s8+s3] =	stream.linear.scatter [tilespmem:s19], [sflag:$0x6], $0x4000, $0x38;
	[tilespmem:$0x15C00] =	vst v63  }
0x4d: {  	_ =	swait.ge [sflag:s5], $0x4000  }
0x4e: {  	[sflag:s5] =	ssyncset.done $0x0  }
0x4f: {  	s10 =	simm.s32 $0x480;
	[sflag:s5] =	ssyncadd.s32 $0xFFFFC000  }
0x50: {  	[tilespmem:s28], [sflag:$0x5] =	stream.indirect.gather [hbm4b:s2+s18], $0x80, s10, s18, $0xb8;
	[tilespmem:$0x15C00] =	vst v63  }
0x51: {  	_ =	swait.ge [sflag:s29], $0x4000  }
0x52: {  	[sflag:s29] =	ssyncset.done $0x0  }
0x53: {  	s11 =	sadd.s32 $0xFFFFE800, s9;
	[sflag:s29] =	ssyncadd.s32 $0xFFFFC000  }
0x54: {  	[hbm4b:s11+s3] =	stream.linear.scatter [tilespmem:s20], [sflag:$0x7], $0x4000, $0x38;
	[tilespmem:$0x15C00] =	vst v63  }
0x55: {  	_ =	swait.ge [sflag:s30], $0x4000  }
0x56: {  	[sflag:s30] =	ssyncset.done $0x0  }
0x57: {  	s16 =	simm.s32 $0x500;
	[sflag:s30] =	ssyncadd.s32 $0xFFFFC000  }
0x58: {  	[tilespmem:s19], [sflag:$0x1] =	stream.indirect.gather [hbm4b:s2+s18], $0x80, s16, s18, $0xb8;
	[tilespmem:$0x15C00] =	vst v63  }
0x59: {  	_ =	swait.ge [sflag:s1], $0x4000  }
0x5a: {  	[sflag:s1] =	ssyncset.done $0x0  }
0x5b: {  	s8 =	sadd.s32 $0xFFFFF000, s9;
	[sflag:s1] =	ssyncadd.s32 $0xFFFFC000  }
0x5c: {  	[hbm4b:s8+s3] =	stream.linear.scatter [tilespmem:s22], [sflag:$0x8], $0x4000, $0x38;
	[tilespmem:$0x15C00] =	vst v63  }
0x5d: {  	_ =	swait.ge [sflag:s0], $0x4000  }
0x5e: {  	[sflag:s0] =	ssyncset.done $0x0  }
0x5f: {  	s10 =	simm.s32 $0x580;
	[sflag:s0] =	ssyncadd.s32 $0xFFFFC000  }
0x60: {  	[tilespmem:s20], [sflag:$0x2] =	stream.indirect.gather [hbm4b:s2+s18], $0x80, s10, s18, $0xb8;
	[tilespmem:$0x15C00] =	vst v63  }
0x61: {  	_ =	swait.ge [sflag:s23], $0x4000  }
0x62: {  	[sflag:s23] =	ssyncset.done $0x0  }
0x63: {  	s11 =	sadd.s32 $0xFFFFF800, s9;
	[sflag:s23] =	ssyncadd.s32 $0xFFFFC000  }
0x64: {  	[hbm4b:s11+s3] =	stream.linear.scatter [tilespmem:s24], [sflag:$0x9], $0x4000, $0x38;
	[tilespmem:$0x15C00] =	vst v63  }
0x65: {  	_ =	swait.ge [sflag:s26], $0x4000  }
0x66: {  	[sflag:s26] =	ssyncset.done $0x0  }
0x67: {  	s16 =	simm.s32 $0x600;
	[sflag:s26] =	ssyncadd.s32 $0xFFFFC000  }
0x68: {  	[tilespmem:s22], [sflag:$0x3] =	stream.indirect.gather [hbm4b:s2+s18], $0x80, s16, s18, $0xb8;
	[tilespmem:$0x15C00] =	vst v63  }
0x69: {  	_ =	swait.ge [sflag:s21], $0x4000  }
0x6a: {  	s7 =	simm.s32 $0xA00;
	[sflag:s21] =	ssyncset.done $0x0  }
0x6b: {  	s8 =	sadd.s32 $0x2800, s9;
	s16 =	smov.u32 s9;
	[sflag:s21] =	ssyncadd.s32 $0xFFFFC000  }
.LBB2_2:
0x6c: {  	[hbm4b:s16+s3] =	stream.linear.scatter [tilespmem:s28], [sflag:$0xA], $0x4000, $0x38;
	[tilespmem:$0x15C00] =	vst v63  }
0x6d: {  	s10 =	smov.u32 s7;
	s16 =	smov.u32 s8  }
0x6e: {  	p0 =	sne.s32 s7, $0x4600;
	s7 =	sadd.s32 $0xA00, s7;
	_ =	swait.ge [sflag:s31], $0x4000  }
0x6f: {  	s10 =	sshra.s32 s10, $0x2;
	[sflag:s31] =	ssyncset.done $0x0  }
0x70: {  	s11 =	sadd.s32 $0x400, s10;
	[sflag:s31] =	ssyncadd.s32 $0xFFFFC000  }
0x71: {  	[tilespmem:s24], [sflag:$0x4] =	stream.indirect.gather [hbm4b:s2+s18], $0x80, s11, s18, $0xb8;
	[tilespmem:$0x15C00] =	vst v63  }
0x72: {  	_ =	swait.ge [sflag:s25], $0x4000  }
0x73: {  	[sflag:s25] =	ssyncset.done $0x0  }
0x74: {  	s11 =	sadd.s32 $0xFFFFE000, s8;
	[sflag:s25] =	ssyncadd.s32 $0xFFFFC000  }
0x75: {  	[hbm4b:s11+s3] =	stream.linear.scatter [tilespmem:s19], [sflag:$0x6], $0x4000, $0x38;
	[tilespmem:$0x15C00] =	vst v63  }
0x76: {  	_ =	swait.ge [sflag:s5], $0x4000  }
0x77: {  	[sflag:s5] =	ssyncset.done $0x0  }
0x78: {  	s11 =	sadd.s32 $0x480, s10;
	[sflag:s5] =	ssyncadd.s32 $0xFFFFC000  }
0x79: {  	[tilespmem:s28], [sflag:$0x5] =	stream.indirect.gather [hbm4b:s2+s18], $0x80, s11, s18, $0xb8;
	[tilespmem:$0x15C00] =	vst v63  }
0x7a: {  	_ =	swait.ge [sflag:s29], $0x4000  }
0x7b: {  	[sflag:s29] =	ssyncset.done $0x0  }
0x7c: {  	s11 =	sadd.s32 $0xFFFFE800, s8;
	[sflag:s29] =	ssyncadd.s32 $0xFFFFC000  }
0x7d: {  	[hbm4b:s11+s3] =	stream.linear.scatter [tilespmem:s20], [sflag:$0x7], $0x4000, $0x38;
	[tilespmem:$0x15C00] =	vst v63  }
0x7e: {  	_ =	swait.ge [sflag:s30], $0x4000  }
0x7f: {  	[sflag:s30] =	ssyncset.done $0x0  }
0x80: {  	s11 =	sadd.s32 $0x500, s10;
	[sflag:s30] =	ssyncadd.s32 $0xFFFFC000  }
0x81: {  	[tilespmem:s19], [sflag:$0x1] =	stream.indirect.gather [hbm4b:s2+s18], $0x80, s11, s18, $0xb8;
	[tilespmem:$0x15C00] =	vst v63  }
0x82: {  	_ =	swait.ge [sflag:s1], $0x4000  }
0x83: {  	[sflag:s1] =	ssyncset.done $0x0  }
0x84: {  	s11 =	sadd.s32 $0xFFFFF000, s8;
	[sflag:s1] =	ssyncadd.s32 $0xFFFFC000  }
0x85: {  	[hbm4b:s11+s3] =	stream.linear.scatter [tilespmem:s22], [sflag:$0x8], $0x4000, $0x38;
	[tilespmem:$0x15C00] =	vst v63  }
0x86: {  	_ =	swait.ge [sflag:s0], $0x4000  }
0x87: {  	[sflag:s0] =	ssyncset.done $0x0  }
0x88: {  	s11 =	sadd.s32 $0x580, s10;
	[sflag:s0] =	ssyncadd.s32 $0xFFFFC000  }
0x89: {  	[tilespmem:s20], [sflag:$0x2] =	stream.indirect.gather [hbm4b:s2+s18], $0x80, s11, s18, $0xb8;
	[tilespmem:$0x15C00] =	vst v63  }
0x8a: {  	_ =	swait.ge [sflag:s23], $0x4000  }
0x8b: {  	[sflag:s23] =	ssyncset.done $0x0  }
0x8c: {  	s11 =	sadd.s32 $0xFFFFF800, s8;
	[sflag:s23] =	ssyncadd.s32 $0xFFFFC000  }
0x8d: {  	[hbm4b:s11+s3] =	stream.linear.scatter [tilespmem:s24], [sflag:$0x9], $0x4000, $0x38;
	[tilespmem:$0x15C00] =	vst v63  }
0x8e: {  	_ =	swait.ge [sflag:s26], $0x4000  }
0x8f: {  	[sflag:s26] =	ssyncset.done $0x0  }
.Ltmp0:
0x90: {  	s10 =	sadd.s32 $0x600, s10;
	[sflag:s26] =	ssyncadd.s32 $0xFFFFC000;
	(pc) =	sbr.rel @p0 .LBB2_2-.Ltmp0, $4  }
0x91: {  	[tilespmem:s22], [sflag:$0x3] =	stream.indirect.gather [hbm4b:s2+s18], $0x80, s10, s18, $0xb8;
	[tilespmem:$0x15C00] =	vst v63  }
0x92: {  	_ =	swait.ge [sflag:s21], $0x4000  }
0x93: {  	[sflag:s21] =	ssyncset.done $0x0  }
0x94: {  	s8 =	sadd.s32 $0x2800, s8;
	[sflag:s21] =	ssyncadd.s32 $0xFFFFC000  }
0x95: {  	[hbm4b:s16+s3] =	stream.linear.scatter [tilespmem:s28], [sflag:$0xA], $0x4000, $0x38;
	[tilespmem:$0x15C00] =	vst v63  }
0x96: {  	_ =	swait.ge [sflag:s31], $0x4000  }
0x97: {  	[sflag:s31] =	ssyncset.done $0x0  }
0x98: {  	s7 =	simm.s32 $0x1800;
	[sflag:s31] =	ssyncadd.s32 $0xFFFFC000  }
0x99: {  	[tilespmem:s24], [sflag:$0x4] =	stream.indirect.gather [hbm4b:s2+s18], $0x80, s7, s18, $0xb8;
	[tilespmem:$0x15C00] =	vst v63  }
0x9a: {  	_ =	swait.ge [sflag:s25], $0x4000  }
0x9b: {  	[sflag:s25] =	ssyncset.done $0x0  }
0x9c: {  	s10 =	rddreg [dreg:$0x9];
	[sflag:s25] =	ssyncadd.s32 $0xFFFFC000  }
0x9d: {  	[hbm4b:s10+s3] =	stream.linear.scatter [tilespmem:s19], [sflag:$0x6], $0x4000, $0x38;
	[tilespmem:$0x15C00] =	vst v63  }
0x9e: {  	_ =	swait.ge [sflag:s5], $0x4000  }
0x9f: {  	[sflag:s5] =	ssyncset.done $0x0  }
0xa0: {  	s11 =	simm.s32 $0x1880;
	[sflag:s5] =	ssyncadd.s32 $0xFFFFC000  }
0xa1: {  	[tilespmem:s28], [sflag:$0x5] =	stream.indirect.gather [hbm4b:s2+s18], $0x80, s11, s18, $0xb8;
	[tilespmem:$0x15C00] =	vst v63  }
0xa2: {  	_ =	swait.ge [sflag:s29], $0x4000  }
0xa3: {  	[sflag:s29] =	ssyncset.done $0x0  }
0xa4: {  	s16 =	rddreg [dreg:$0xa];
	[sflag:s29] =	ssyncadd.s32 $0xFFFFC000  }
0xa5: {  	[hbm4b:s16+s3] =	stream.linear.scatter [tilespmem:s20], [sflag:$0x7], $0x4000, $0x38;
	[tilespmem:$0x15C00] =	vst v63  }
0xa6: {  	_ =	swait.ge [sflag:s1], $0x4000  }
0xa7: {  	[sflag:s1] =	ssyncset.done $0x0  }
0xa8: {  	[sflag:s1] =	ssyncadd.s32 $0xFFFFC000  }
0xa9: {  	[hbm4b:s12+s3] =	stream.linear.scatter [tilespmem:s22], [sflag:$0x8], $0x4000, $0x38;
	[tilespmem:$0x15C00] =	vst v63  }
0xaa: {  	_ =	swait.ge [sflag:s23], $0x4000  }
0xab: {  	[sflag:s23] =	ssyncset.done $0x0  }
0xac: {  	[sflag:s23] =	ssyncadd.s32 $0xFFFFC000  }
0xad: {  	[hbm4b:s13+s3] =	stream.linear.scatter [tilespmem:s24], [sflag:$0x9], $0x4000, $0x38;
	[tilespmem:$0x15C00] =	vst v63  }
0xae: {  	_ =	swait.ge [sflag:s21], $0x4000  }
0xaf: {  	[sflag:s21] =	ssyncset.done $0x0  }
0xb0: {  	[sflag:s21] =	ssyncadd.s32 $0xFFFFC000  }
0xb1: {  	[hbm4b:s14+s3] =	stream.linear.scatter [tilespmem:s28], [sflag:$0xA], $0x4000, $0x38;
	[tilespmem:$0x15C00] =	vst v63  }
0xb2: {  	_ =	swait.ge [sflag:s30], $0x4000  }
0xb3: {  	[sflag:s30] =	ssyncset.done $0x0  }
0xb4: {  	[sflag:s30] =	ssyncadd.s32 $0xFFFFC000  }
0xb5: {  	_ =	swait.ge [sflag:s0], $0x4000  }
0xb6: {  	[sflag:s0] =	ssyncset.done $0x0  }
0xb7: {  	[sflag:s0] =	ssyncadd.s32 $0xFFFFC000  }
0xb8: {  	_ =	swait.ge [sflag:s26], $0x4000  }
0xb9: {  	[sflag:s26] =	ssyncset.done $0x0  }
0xba: {  	s6 =	sadd.s32 $0x1, s6;
	[sflag:s26] =	ssyncadd.s32 $0xFFFFC000  }
0xbb: {  	p0 =	sne.s32 s6, s15;
	_ =	swait.ge [sflag:s31], $0x4000  }
.Ltmp1:
0xbc: {  	[sflag:s31] =	ssyncset.done $0x0;
	(pc) =	sbr.rel @p0 .LBB2_1-.Ltmp1, $4  }
0xbd: {  	[sflag:s31] =	ssyncadd.s32 $0xFFFFC000  }
0xbe: {  	_ =	swait.ge [sflag:s5], $0x4000  }
0xbf: {  	[sflag:s5] =	ssyncset.done $0x0  }
0xc0: {  	[sflag:s5] =	ssyncadd.s32 $0xFFFFC000  }
0xc1: {  	_ =	sfence.sel $0x180000  }
0xc2: {  	[bflag:$0x0] =	sbarrier.arrive $0xFFFF  }
0xc3: {  	_ =	strace $0x90000047  }
0xc4: {  	s0 =	stileid.u32;
	[bflag:$0x2] =	sbarrier.arrive $0xFFFF  }
0xc5: {  	p0 =	sne.s32 s0, $0x0;
	s0 =	rddreg [dreg:$0x3]  }
0xc6: {  	s0 =	sadd.s32 @!p0 $0x100000, s0  }
0xc7: {  	[sflag:s0] =	ssyncadd.tile.s32 @!p0 $0x1;
	_ =	shalt  }
.Lfunc_end2:
_tile_overlayer_lowered:
.L_overlay_start_2:
0xc8: {  	(tag) =	ssettag $0x2  }
0xc9: {  	s0 =	rddreg [dreg:$0x0];
	s2 =	stileid.u32  }
0xca: {  	s1 =	rddreg [dreg:$0x1];
	p0 =	sne.s32 s2, $0x0  }
0xcb: {  	s3 =	rddreg [dreg:$0x2];
	[bflag:$0x3] =	sbarrier.arrive $0xFFFF;
	s2 =	simm.s32 @!p0 $0x1C0B  }
0xcc: {  	[timem:s3], [sflag:s2] =	dma.local @!p0 [hbm:s0], s1  }
0xcd: {  	s0 =	simm.s32 @!p0 $0xB  }
0xce: {  	_ =	swait.ge @!p0 [sflag:s0], s1  }
0xcf: {  	s1 =	ssub.s32 @!p0 $0x0, s1;
	[sflag:s0] =	ssyncset.done @!p0 $0x0  }
0xd0: {  	[sflag:s0] =	ssyncadd.s32 @!p0 s1  }
0xd1: {  	[bflag:$0x3] =	sbarrier.arrive $0xFFFF  }
0xd2: {  	_ =	shalt  }

</sc_bundles>
